<compile_context>
chip_gen: v7x
topology: tpu7x:2x2x1
jax: 0.10.2.dev20260603
libtpu: 0.0.44.dev20260713+nightly
codegen_flags: <defaults>
</compile_context>

<pallas_src>
import functools

import jax
import jax.numpy as jnp
from jax import lax
from jax.experimental import pallas as pl
from jax.experimental.pallas import tpu as pltpu
from jax.experimental.pallas import tpu_sc as plsc

N_NODES = 10000
N_NODES_PAD = 10240
N_EDGES = 320000
EMBED_DIM = 128
NUM_ATOM_TYPES = 100
NUM_BOND_TYPES = 16
NUM_RBF = 128

EDGE_BLOCK = 12800
EC = EDGE_BLOCK // 128

_GAMMA = 10.0
_BIG = 1.0e19


def _split3(x):
    hi = x.astype(jnp.bfloat16)
    r1 = x - hi.astype(jnp.float32)
    mid = r1.astype(jnp.bfloat16)
    lo = (r1 - mid.astype(jnp.float32)).astype(jnp.bfloat16)
    return hi, mid, lo


def _edge_kernel(cut_ref, dx_ref, dy_ref, dz_ref, e1_ref, e2_ref,
                 wbhi_ref, wblo_ref, dis_ref, bond_ref):
    co = cut_ref[0]
    dx = dx_ref[0]
    dy = dy_ref[0]
    dz = dz_ref[0]
    d = jnp.sqrt(dx * dx + dy * dy + dz * dz)
    dm = jnp.where(d <= co, d, _BIG).reshape(1, EDGE_BLOCK)
    dhi, dmid, dlo = _split3(dm)

    s = co / (NUM_RBF - 1)
    s1 = s.astype(jnp.bfloat16).astype(jnp.float32)
    s2 = (s - s1).astype(jnp.bfloat16).astype(jnp.float32)
    s3 = (s - s1 - s2).astype(jnp.bfloat16).astype(jnp.float32)

    ones_b = jnp.ones((1, EDGE_BLOCK), jnp.bfloat16)
    lane = lax.broadcasted_iota(jnp.int32, (1, NUM_RBF), 1)
    lane_b = lane.astype(jnp.bfloat16)
    ones_l = jnp.ones((1, NUM_RBF), jnp.bfloat16)

    def _row(v):
        return jnp.full((1, EDGE_BLOCK), v, jnp.float32).astype(jnp.bfloat16)

    lhs_d = jnp.concatenate(
        [dhi, dmid, dlo, _row(-s1), _row(-s2), _row(-s3)], axis=0)
    rhs_d = jnp.concatenate([ones_l, ones_l, ones_l, lane_b, lane_b, lane_b],
                            axis=0)
    diff = lax.dot_general(lhs_d, rhs_d, (((0,), (0,)), ((), ())),
                           preferred_element_type=jnp.float32)
    dis_ref[...] = jnp.exp(-_GAMMA * diff * diff)

    idx = lax.rem(e1_ref[0] + e2_ref[0], NUM_BOND_TYPES)
    idx_b = idx.reshape(1, EDGE_BLOCK).astype(jnp.bfloat16)
    lhs_i = jnp.concatenate([idx_b, ones_b], axis=0)
    rhs_i = jnp.concatenate([ones_l, -lane_b], axis=0)
    delta = lax.dot_general(lhs_i, rhs_i, (((0,), (0,)), ((), ())),
                            preferred_element_type=jnp.float32)
    onehot = jnp.where(delta == 0.0, 1.0, 0.0).astype(jnp.bfloat16)
    bond_ref[...] = (
        jnp.dot(onehot, wbhi_ref[...], preferred_element_type=jnp.float32)
        + jnp.dot(onehot, wblo_ref[...], preferred_element_type=jnp.float32))


def _make_sc_node_gather():
    info = plsc.get_sparse_core_info()
    ncores, nsub = info.num_cores, info.num_subcores
    nw = ncores * nsub
    b_per_w = N_NODES_PAD // nw
    mesh = plsc.VectorSubcoreMesh(core_axis_name="c", subcore_axis_name="s")

    tail = N_NODES - (nw - 1) * b_per_w
    L = info.num_lanes

    @functools.partial(
        pl.kernel, mesh=mesh,
        out_type=[
            jax.ShapeDtypeStruct((N_NODES, EMBED_DIM), jnp.float32),
            jax.ShapeDtypeStruct((N_NODES,), jnp.float32),
        ],
        scratch_types=[
            pltpu.VMEM((b_per_w,), jnp.int32),
            pltpu.VMEM((b_per_w, EMBED_DIM), jnp.float32),
            pltpu.VMEM((tail,), jnp.int32),
            pltpu.VMEM((tail, EMBED_DIM), jnp.float32),
            pltpu.VMEM((b_per_w,), jnp.int32),
            pltpu.VMEM((b_per_w,), jnp.float32),
            pltpu.SemaphoreType.DMA,
        ],
    )
    def node_gather(table_hbm, idx_hbm, deg_hbm, out_hbm, deg_out_hbm,
                    idx_v, rows_v, idx_t, rows_t, deg_v, degf_v, sem):
        wid = lax.axis_index("s") * ncores + lax.axis_index("c")
        base = wid * b_per_w

        @pl.when(wid < nw - 1)
        def _():
            pltpu.sync_copy(idx_hbm.at[pl.ds(base, b_per_w)], idx_v)
            pltpu.async_copy(table_hbm.at[idx_v], rows_v, sem).wait()
            pltpu.sync_copy(rows_v, out_hbm.at[pl.ds(base, b_per_w)])
            pltpu.sync_copy(deg_hbm.at[pl.ds(base, b_per_w)], deg_v)
            for j in range(b_per_w // L):
                degf_v[pl.ds(j * L, L)] = deg_v[pl.ds(j * L, L)].astype(jnp.float32)
            pltpu.sync_copy(degf_v, deg_out_hbm.at[pl.ds(base, b_per_w)])

        @pl.when(wid == nw - 1)
        def _():
            pltpu.sync_copy(idx_hbm.at[pl.ds(base, tail)], idx_t)
            pltpu.async_copy(table_hbm.at[idx_t], rows_t, sem).wait()
            pltpu.sync_copy(rows_t, out_hbm.at[pl.ds(base, tail)])
            pltpu.sync_copy(deg_hbm.at[pl.ds(base, tail)], deg_v.at[pl.ds(0, tail)])
            for j in range(tail // L):
                degf_v[pl.ds(j * L, L)] = deg_v[pl.ds(j * L, L)].astype(jnp.float32)
            pltpu.sync_copy(degf_v.at[pl.ds(0, tail)],
                            deg_out_hbm.at[pl.ds(base, tail)])

    return node_gather


def _hi_lo(w, rows):
    wp = jnp.zeros((EMBED_DIM, EMBED_DIM), jnp.float32).at[:rows].set(w)
    hi = wp.astype(jnp.bfloat16)
    lo = (wp - hi.astype(jnp.float32)).astype(jnp.bfloat16)
    return hi, lo


def kernel(node_feat, edges1, edges2, edges_direction, degree_tensor, W_node, W_bond, cut_off):
    cut = jnp.asarray(cut_off, jnp.float32).reshape(1)
    n_eb = N_EDGES // EDGE_BLOCK
    dx = edges_direction[:, 0].reshape(n_eb, EC, 128)
    dy = edges_direction[:, 1].reshape(n_eb, EC, 128)
    dz = edges_direction[:, 2].reshape(n_eb, EC, 128)
    e1 = edges1.reshape(n_eb, EC, 128)
    e2 = edges2.reshape(n_eb, EC, 128)
    wb_hi, wb_lo = _hi_lo(W_bond, NUM_BOND_TYPES)

    edge_feat_dis, edge_feat_bond = pl.pallas_call(
        _edge_kernel,
        grid=(n_eb,),
        in_specs=[
            pl.BlockSpec(memory_space=pltpu.SMEM),
            pl.BlockSpec((1, EC, 128), lambda i: (i, 0, 0)),
            pl.BlockSpec((1, EC, 128), lambda i: (i, 0, 0)),
            pl.BlockSpec((1, EC, 128), lambda i: (i, 0, 0)),
            pl.BlockSpec((1, EC, 128), lambda i: (i, 0, 0)),
            pl.BlockSpec((1, EC, 128), lambda i: (i, 0, 0)),
            pl.BlockSpec((EMBED_DIM, EMBED_DIM), lambda i: (0, 0)),
            pl.BlockSpec((EMBED_DIM, EMBED_DIM), lambda i: (0, 0)),
        ],
        out_specs=[
            pl.BlockSpec((EDGE_BLOCK, NUM_RBF), lambda i: (i, 0)),
            pl.BlockSpec((EDGE_BLOCK, EMBED_DIM), lambda i: (i, 0)),
        ],
        out_shape=[
            jax.ShapeDtypeStruct((N_EDGES, NUM_RBF), jnp.float32),
            jax.ShapeDtypeStruct((N_EDGES, EMBED_DIM), jnp.float32),
        ],
    )(cut, dx, dy, dz, e1, e2, wb_hi, wb_lo)

    node_out, degree_out = _make_sc_node_gather()(
        W_node, node_feat.astype(jnp.int32), degree_tensor.astype(jnp.int32))

    return (node_out, edge_feat_dis, edge_feat_bond, degree_out)

# --- scband reference (transcript-rebuilt; emitter-appended) ---
"""Pipeline reference for scband-mol-embedding-layer-70162585747871 (READ-ONLY COPY).

The authoritative reference and input builder live on the scoring server;
editing this copy changes nothing except your own understanding.
"""

import jax, jax.numpy as jnp
import numpy as np

N_NODES = 10000
N_EDGES = 320000
EMBED_DIM = 128
NUM_ATOM_TYPES = 100
NUM_BOND_TYPES = 16
NUM_RBF = 128


def setup_inputs(seed: int = 0) -> dict:
    key = jax.random.key(seed)
    ks = jax.random.split(key, 7)
    node_feat = jax.random.randint(ks[0], (N_NODES,), 0, NUM_ATOM_TYPES)
    edges1 = jax.random.randint(ks[1], (N_EDGES,), 0, N_NODES)
    edges2 = jax.random.randint(ks[2], (N_EDGES,), 0, N_NODES)
    edges_direction = jax.random.normal(ks[3], (N_EDGES, 3), dtype=jnp.float32)
    degree_tensor = jax.random.randint(ks[4], (N_NODES,), 0, 64)
    W_node = jax.random.normal(ks[5], (NUM_ATOM_TYPES, EMBED_DIM), dtype=jnp.float32) * 0.02
    W_bond = jax.random.normal(ks[6], (NUM_BOND_TYPES, EMBED_DIM), dtype=jnp.float32) * 0.02
    return {
        'node_feat': node_feat,
        'edges1': edges1,
        'edges2': edges2,
        'edges_direction': edges_direction,
        'degree_tensor': degree_tensor,
        'W_node': W_node,
        'W_bond': W_bond,
        'cut_off': jnp.float32(5.0),
    }


def reference(node_feat, edges1, edges2, edges_direction, degree_tensor, W_node, W_bond, cut_off=5.0):
    # Nodes_Embedding: atom-type embedding lookup
    node_out = jnp.take(W_node, node_feat, axis=0)  # [N, D]

    # Edges_Embedding part 1: distance features via Gaussian RBF expansion with cutoff
    dist = jnp.linalg.norm(edges_direction, axis=-1)  # [E]
    centers = jnp.linspace(0.0, cut_off, NUM_RBF)  # [NUM_RBF]
    gamma = 10.0
    edge_feat_dis = jnp.exp(-gamma * (dist[:, None] - centers[None, :]) ** 2)  # [E, NUM_RBF]
    mask = (dist <= cut_off).astype(jnp.float32)[:, None]
    edge_feat_dis = edge_feat_dis * mask

    # Edges_Embedding part 2: bond-type embedding lookup
    bond_idx = jnp.mod(edges1 + edges2, NUM_BOND_TYPES)  # [E]
    edge_feat_bond = jnp.take(W_bond, bond_idx, axis=0)  # [E, D]

    # degree tensor passthrough (as float features)
    degree_out = degree_tensor.astype(jnp.float32)  # [N]

    return (node_out, edge_feat_dis, edge_feat_bond, degree_out)

if __name__ == "__main__":
    import jax
    _d = setup_inputs()
    print(jax.jit(kernel)(*tuple(_d.values())))

</pallas_src>

<mosaic_0001>
#map = affine_map<(d0, d1) -> (0, 0)>
#map1 = affine_map<(d0, d1) -> (0)>
module attributes {stable_mosaic.version = 14 : i64} {
  func.func @node_gather(%arg0: i32, %arg1: i32, %arg2: memref<100x128xf32, #tpu.memory_space<hbm>>, %arg3: memref<10000xi32, #tpu.memory_space<hbm>>, %arg4: memref<10000xi32, #tpu.memory_space<hbm>>, %arg5: memref<10000x128xf32, #tpu.memory_space<hbm>>, %arg6: memref<10000xf32, #tpu.memory_space<hbm>>, %arg7: memref<320xi32, #tpu.memory_space<vmem>>, %arg8: memref<320x128xf32, #tpu.memory_space<vmem>>, %arg9: memref<80xi32, #tpu.memory_space<vmem>>, %arg10: memref<80x128xf32, #tpu.memory_space<vmem>>, %arg11: memref<320xi32, #tpu.memory_space<vmem>>, %arg12: memref<320xf32, #tpu.memory_space<vmem>>, %arg13: memref<!tpu.dma_semaphore, #tpu.memory_space<semaphore_mem>>) attributes {dimension_semantics = [#tpu.dimension_semantics<core_parallel>, #tpu.dimension_semantics<subcore_parallel>], iteration_bounds = array<i64: 2, 16>, scalar_prefetch = 0 : i64, scratch_operands = 7 : i64, tpu.core_type = #tpu.core_type<sc_vector_subcore>, window_params = [{transform_indices = #map}, {transform_indices = #map1}, {transform_indices = #map1}, {transform_indices = #map}, {transform_indices = #map1}]} {
    %mul3A = arith.constant 2 : i32
    %mul3A_0 = arith.muli %arg1, %mul3A : i32
    %add3A = arith.addi %mul3A_0, %arg0 : i32
    %mul3A_1 = arith.constant 320 : i32
    %mul3A_2 = arith.muli %add3A, %mul3A_1 : i32
    %lt3A = arith.constant 31 : i32
    %lt3A_3 = arith.cmpi slt, %add3A, %lt3A : i32
    %convert_element_type3A = arith.extui %lt3A_3 : i1 to i32
    %cond3A = arith.constant 0 : i32
    %cond3A_4 = arith.cmpi ne, %convert_element_type3A, %cond3A : i32
    scf.if %cond3A_4 {
      "tpu.region"() ({
        %run_scoped3A = tpu.sem_alloc : memref<!tpu.dma_semaphore, #tpu.memory_space<semaphore_mem>>
        %dma_start3A_171 = tpu.memref_slice %arg3[%mul3A_2] : memref<10000xi32, #tpu.memory_space<hbm>> -> memref<320xi32, #tpu.memory_space<hbm>>
        %dma_start3A_172 = tpu.memref_slice %arg3[%mul3A_2] : memref<10000xi32, #tpu.memory_space<hbm>> -> memref<320xi32, #tpu.memory_space<hbm>>
        tpu.enqueue_dma source(%dma_start3A_172 : memref<320xi32, #tpu.memory_space<hbm>>) target(%arg7 : memref<320xi32, #tpu.memory_space<vmem>>) target_semaphore(%run_scoped3A : memref<!tpu.dma_semaphore, #tpu.memory_space<semaphore_mem>>)
        %dma_wait3A_173 = tpu.memref_slice %arg3[%mul3A_2] : memref<10000xi32, #tpu.memory_space<hbm>> -> memref<320xi32, #tpu.memory_space<hbm>>
        %dma_wait3A_174 = tpu.memref_slice %arg3[%mul3A_2] : memref<10000xi32, #tpu.memory_space<hbm>> -> memref<320xi32, #tpu.memory_space<hbm>>
        tpu.wait_dma2 semaphore(%run_scoped3A : memref<!tpu.dma_semaphore, #tpu.memory_space<semaphore_mem>>) src(%dma_wait3A_174 : memref<320xi32, #tpu.memory_space<hbm>>) dst(%arg7 : memref<320xi32, #tpu.memory_space<vmem>>)
        tpu.yield
      }) : () -> ()
      %dma_start3A = arith.constant 0 : i32
      %dma_start3A_9 = arith.constant 0 : i32
      %dma_start3A_10 = tpu.memref_slice %arg2[%dma_start3A, %dma_start3A_9] : memref<100x128xf32, #tpu.memory_space<hbm>> -> memref<100x128xf32, #tpu.memory_space<hbm>>
      tpu.enqueue_indirect_dma source(%dma_start3A_10 : memref<100x128xf32, #tpu.memory_space<hbm>>) target(%arg8 : memref<320x128xf32, #tpu.memory_space<vmem>>) offsets(%arg7 : memref<320xi32, #tpu.memory_space<vmem>>) semaphore(%arg13 : memref<!tpu.dma_semaphore, #tpu.memory_space<semaphore_mem>>)
      %dma_wait3A = arith.constant 0 : i32
      %dma_wait3A_11 = arith.constant 0 : i32
      %dma_wait3A_12 = tpu.memref_slice %arg2[%dma_wait3A, %dma_wait3A_11] : memref<100x128xf32, #tpu.memory_space<hbm>> -> memref<100x128xf32, #tpu.memory_space<hbm>>
      tpu.wait_indirect_dma semaphore(%arg13 : memref<!tpu.dma_semaphore, #tpu.memory_space<semaphore_mem>>) src(%dma_wait3A_12 : memref<100x128xf32, #tpu.memory_space<hbm>>) dst(%arg8 : memref<320x128xf32, #tpu.memory_space<vmem>>)
      "tpu.region"() ({
        %run_scoped3A = tpu.sem_alloc : memref<!tpu.dma_semaphore, #tpu.memory_space<semaphore_mem>>
        %dma_start3A_171 = arith.constant 0 : i32
        %dma_start3A_172 = tpu.memref_slice %arg5[%mul3A_2, %dma_start3A_171] : memref<10000x128xf32, #tpu.memory_space<hbm>> -> memref<320x128xf32, #tpu.memory_space<hbm>>
        %dma_start3A_173 = arith.constant 0 : i32
        %dma_start3A_174 = tpu.memref_slice %arg5[%mul3A_2, %dma_start3A_173] : memref<10000x128xf32, #tpu.memory_space<hbm>> -> memref<320x128xf32, #tpu.memory_space<hbm>>
        tpu.enqueue_dma source(%arg8 : memref<320x128xf32, #tpu.memory_space<vmem>>) target(%dma_start3A_174 : memref<320x128xf32, #tpu.memory_space<hbm>>) target_semaphore(%run_scoped3A : memref<!tpu.dma_semaphore, #tpu.memory_space<semaphore_mem>>)
        %dma_wait3A_175 = arith.constant 0 : i32
        %dma_wait3A_176 = tpu.memref_slice %arg5[%mul3A_2, %dma_wait3A_175] : memref<10000x128xf32, #tpu.memory_space<hbm>> -> memref<320x128xf32, #tpu.memory_space<hbm>>
        %dma_wait3A_177 = arith.constant 0 : i32
        %dma_wait3A_178 = tpu.memref_slice %arg5[%mul3A_2, %dma_wait3A_177] : memref<10000x128xf32, #tpu.memory_space<hbm>> -> memref<320x128xf32, #tpu.memory_space<hbm>>
        tpu.wait_dma2 semaphore(%run_scoped3A : memref<!tpu.dma_semaphore, #tpu.memory_space<semaphore_mem>>) src(%arg8 : memref<320x128xf32, #tpu.memory_space<vmem>>) dst(%dma_wait3A_178 : memref<320x128xf32, #tpu.memory_space<hbm>>)
        tpu.yield
      }) : () -> ()
      "tpu.region"() ({
        %run_scoped3A = tpu.sem_alloc : memref<!tpu.dma_semaphore, #tpu.memory_space<semaphore_mem>>
        %dma_start3A_171 = tpu.memref_slice %arg4[%mul3A_2] : memref<10000xi32, #tpu.memory_space<hbm>> -> memref<320xi32, #tpu.memory_space<hbm>>
        %dma_start3A_172 = tpu.memref_slice %arg4[%mul3A_2] : memref<10000xi32, #tpu.memory_space<hbm>> -> memref<320xi32, #tpu.memory_space<hbm>>
        tpu.enqueue_dma source(%dma_start3A_172 : memref<320xi32, #tpu.memory_space<hbm>>) target(%arg11 : memref<320xi32, #tpu.memory_space<vmem>>) target_semaphore(%run_scoped3A : memref<!tpu.dma_semaphore, #tpu.memory_space<semaphore_mem>>)
        %dma_wait3A_173 = tpu.memref_slice %arg4[%mul3A_2] : memref<10000xi32, #tpu.memory_space<hbm>> -> memref<320xi32, #tpu.memory_space<hbm>>
        %dma_wait3A_174 = tpu.memref_slice %arg4[%mul3A_2] : memref<10000xi32, #tpu.memory_space<hbm>> -> memref<320xi32, #tpu.memory_space<hbm>>
        tpu.wait_dma2 semaphore(%run_scoped3A : memref<!tpu.dma_semaphore, #tpu.memory_space<semaphore_mem>>) src(%dma_wait3A_174 : memref<320xi32, #tpu.memory_space<hbm>>) dst(%arg11 : memref<320xi32, #tpu.memory_space<vmem>>)
        tpu.yield
      }) : () -> ()
      %get3A = arith.constant 0 : index
      %get3A_13 = tpu.vector_load %arg11[%get3A] {strides = array<i32>} : memref<320xi32, #tpu.memory_space<vmem>>, vector<16xi32>,
      %get3A_14 = vector.shape_cast %get3A_13 : vector<16xi32> to vector<16xi32>
      %convert_element_type3A_15 = arith.sitofp %get3A_14 : vector<16xi32> to vector<16xf32>
      %swap3A = arith.constant 0 : index
      %swap3A_16 = tpu.vector_load %arg12[%swap3A] {strides = array<i32>} : memref<320xf32, #tpu.memory_space<vmem>>, vector<16xf32>,
      %swap3A_17 = vector.shape_cast %swap3A_16 : vector<16xf32> to vector<16xf32>
      %swap3A_18 = vector.shape_cast %convert_element_type3A_15 : vector<16xf32> to vector<16xf32>
      tpu.vector_store %arg12[%swap3A], %swap3A_18 {strides = array<i32>} : memref<320xf32, #tpu.memory_space<vmem>>, vector<16xf32>,
      %get3A_19 = arith.constant 16 : index
      %get3A_20 = tpu.vector_load %arg11[%get3A_19] {strides = array<i32>} : memref<320xi32, #tpu.memory_space<vmem>>, vector<16xi32>,
      %get3A_21 = vector.shape_cast %get3A_20 : vector<16xi32> to vector<16xi32>
      %convert_element_type3A_22 = arith.sitofp %get3A_21 : vector<16xi32> to vector<16xf32>
      %swap3A_23 = arith.constant 16 : index
      %swap3A_24 = tpu.vector_load %arg12[%swap3A_23] {strides = array<i32>} : memref<320xf32, #tpu.memory_space<vmem>>, vector<16xf32>,
      %swap3A_25 = vector.shape_cast %swap3A_24 : vector<16xf32> to vector<16xf32>
      %swap3A_26 = vector.shape_cast %convert_element_type3A_22 : vector<16xf32> to vector<16xf32>
      tpu.vector_store %arg12[%swap3A_23], %swap3A_26 {strides = array<i32>} : memref<320xf32, #tpu.memory_space<vmem>>, vector<16xf32>,
      %get3A_27 = arith.constant 32 : index
      %get3A_28 = tpu.vector_load %arg11[%get3A_27] {strides = array<i32>} : memref<320xi32, #tpu.memory_space<vmem>>, vector<16xi32>,
      %get3A_29 = vector.shape_cast %get3A_28 : vector<16xi32> to vector<16xi32>
      %convert_element_type3A_30 = arith.sitofp %get3A_29 : vector<16xi32> to vector<16xf32>
      %swap3A_31 = arith.constant 32 : index
      %swap3A_32 = tpu.vector_load %arg12[%swap3A_31] {strides = array<i32>} : memref<320xf32, #tpu.memory_space<vmem>>, vector<16xf32>,
      %swap3A_33 = vector.shape_cast %swap3A_32 : vector<16xf32> to vector<16xf32>
      %swap3A_34 = vector.shape_cast %convert_element_type3A_30 : vector<16xf32> to vector<16xf32>
      tpu.vector_store %arg12[%swap3A_31], %swap3A_34 {strides = array<i32>} : memref<320xf32, #tpu.memory_space<vmem>>, vector<16xf32>,
      %get3A_35 = arith.constant 48 : index
      %get3A_36 = tpu.vector_load %arg11[%get3A_35] {strides = array<i32>} : memref<320xi32, #tpu.memory_space<vmem>>, vector<16xi32>,
      %get3A_37 = vector.shape_cast %get3A_36 : vector<16xi32> to vector<16xi32>
      %convert_element_type3A_38 = arith.sitofp %get3A_37 : vector<16xi32> to vector<16xf32>
      %swap3A_39 = arith.constant 48 : index
      %swap3A_40 = tpu.vector_load %arg12[%swap3A_39] {strides = array<i32>} : memref<320xf32, #tpu.memory_space<vmem>>, vector<16xf32>,
      %swap3A_41 = vector.shape_cast %swap3A_40 : vector<16xf32> to vector<16xf32>
      %swap3A_42 = vector.shape_cast %convert_element_type3A_38 : vector<16xf32> to vector<16xf32>
      tpu.vector_store %arg12[%swap3A_39], %swap3A_42 {strides = array<i32>} : memref<320xf32, #tpu.memory_space<vmem>>, vector<16xf32>,
      %get3A_43 = arith.constant 64 : index
      %get3A_44 = tpu.vector_load %arg11[%get3A_43] {strides = array<i32>} : memref<320xi32, #tpu.memory_space<vmem>>, vector<16xi32>,
      %get3A_45 = vector.shape_cast %get3A_44 : vector<16xi32> to vector<16xi32>
      %convert_element_type3A_46 = arith.sitofp %get3A_45 : vector<16xi32> to vector<16xf32>
      %swap3A_47 = arith.constant 64 : index
      %swap3A_48 = tpu.vector_load %arg12[%swap3A_47] {strides = array<i32>} : memref<320xf32, #tpu.memory_space<vmem>>, vector<16xf32>,
      %swap3A_49 = vector.shape_cast %swap3A_48 : vector<16xf32> to vector<16xf32>
      %swap3A_50 = vector.shape_cast %convert_element_type3A_46 : vector<16xf32> to vector<16xf32>
      tpu.vector_store %arg12[%swap3A_47], %swap3A_50 {strides = array<i32>} : memref<320xf32, #tpu.memory_space<vmem>>, vector<16xf32>,
      %get3A_51 = arith.constant 80 : index
      %get3A_52 = tpu.vector_load %arg11[%get3A_51] {strides = array<i32>} : memref<320xi32, #tpu.memory_space<vmem>>, vector<16xi32>,
      %get3A_53 = vector.shape_cast %get3A_52 : vector<16xi32> to vector<16xi32>
      %convert_element_type3A_54 = arith.sitofp %get3A_53 : vector<16xi32> to vector<16xf32>
      %swap3A_55 = arith.constant 80 : index
      %swap3A_56 = tpu.vector_load %arg12[%swap3A_55] {strides = array<i32>} : memref<320xf32, #tpu.memory_space<vmem>>, vector<16xf32>,
      %swap3A_57 = vector.shape_cast %swap3A_56 : vector<16xf32> to vector<16xf32>
      %swap3A_58 = vector.shape_cast %convert_element_type3A_54 : vector<16xf32> to vector<16xf32>
      tpu.vector_store %arg12[%swap3A_55], %swap3A_58 {strides = array<i32>} : memref<320xf32, #tpu.memory_space<vmem>>, vector<16xf32>,
      %get3A_59 = arith.constant 96 : index
      %get3A_60 = tpu.vector_load %arg11[%get3A_59] {strides = array<i32>} : memref<320xi32, #tpu.memory_space<vmem>>, vector<16xi32>,
      %get3A_61 = vector.shape_cast %get3A_60 : vector<16xi32> to vector<16xi32>
      %convert_element_type3A_62 = arith.sitofp %get3A_61 : vector<16xi32> to vector<16xf32>
      %swap3A_63 = arith.constant 96 : index
      %swap3A_64 = tpu.vector_load %arg12[%swap3A_63] {strides = array<i32>} : memref<320xf32, #tpu.memory_space<vmem>>, vector<16xf32>,
      %swap3A_65 = vector.shape_cast %swap3A_64 : vector<16xf32> to vector<16xf32>
      %swap3A_66 = vector.shape_cast %convert_element_type3A_62 : vector<16xf32> to vector<16xf32>
      tpu.vector_store %arg12[%swap3A_63], %swap3A_66 {strides = array<i32>} : memref<320xf32, #tpu.memory_space<vmem>>, vector<16xf32>,
      %get3A_67 = arith.constant 112 : index
      %get3A_68 = tpu.vector_load %arg11[%get3A_67] {strides = array<i32>} : memref<320xi32, #tpu.memory_space<vmem>>, vector<16xi32>,
      %get3A_69 = vector.shape_cast %get3A_68 : vector<16xi32> to vector<16xi32>
      %convert_element_type3A_70 = arith.sitofp %get3A_69 : vector<16xi32> to vector<16xf32>
      %swap3A_71 = arith.constant 112 : index
      %swap3A_72 = tpu.vector_load %arg12[%swap3A_71] {strides = array<i32>} : memref<320xf32, #tpu.memory_space<vmem>>, vector<16xf32>,
      %swap3A_73 = vector.shape_cast %swap3A_72 : vector<16xf32> to vector<16xf32>
      %swap3A_74 = vector.shape_cast %convert_element_type3A_70 : vector<16xf32> to vector<16xf32>
      tpu.vector_store %arg12[%swap3A_71], %swap3A_74 {strides = array<i32>} : memref<320xf32, #tpu.memory_space<vmem>>, vector<16xf32>,
      %get3A_75 = arith.constant 128 : index
      %get3A_76 = tpu.vector_load %arg11[%get3A_75] {strides = array<i32>} : memref<320xi32, #tpu.memory_space<vmem>>, vector<16xi32>,
      %get3A_77 = vector.shape_cast %get3A_76 : vector<16xi32> to vector<16xi32>
      %convert_element_type3A_78 = arith.sitofp %get3A_77 : vector<16xi32> to vector<16xf32>
      %swap3A_79 = arith.constant 128 : index
      %swap3A_80 = tpu.vector_load %arg12[%swap3A_79] {strides = array<i32>} : memref<320xf32, #tpu.memory_space<vmem>>, vector<16xf32>,
      %swap3A_81 = vector.shape_cast %swap3A_80 : vector<16xf32> to vector<16xf32>
      %swap3A_82 = vector.shape_cast %convert_element_type3A_78 : vector<16xf32> to vector<16xf32>
      tpu.vector_store %arg12[%swap3A_79], %swap3A_82 {strides = array<i32>} : memref<320xf32, #tpu.memory_space<vmem>>, vector<16xf32>,
      %get3A_83 = arith.constant 144 : index
      %get3A_84 = tpu.vector_load %arg11[%get3A_83] {strides = array<i32>} : memref<320xi32, #tpu.memory_space<vmem>>, vector<16xi32>,
      %get3A_85 = vector.shape_cast %get3A_84 : vector<16xi32> to vector<16xi32>
      %convert_element_type3A_86 = arith.sitofp %get3A_85 : vector<16xi32> to vector<16xf32>
      %swap3A_87 = arith.constant 144 : index
      %swap3A_88 = tpu.vector_load %arg12[%swap3A_87] {strides = array<i32>} : memref<320xf32, #tpu.memory_space<vmem>>, vector<16xf32>,
      %swap3A_89 = vector.shape_cast %swap3A_88 : vector<16xf32> to vector<16xf32>
      %swap3A_90 = vector.shape_cast %convert_element_type3A_86 : vector<16xf32> to vector<16xf32>
      tpu.vector_store %arg12[%swap3A_87], %swap3A_90 {strides = array<i32>} : memref<320xf32, #tpu.memory_space<vmem>>, vector<16xf32>,
      %get3A_91 = arith.constant 160 : index
      %get3A_92 = tpu.vector_load %arg11[%get3A_91] {strides = array<i32>} : memref<320xi32, #tpu.memory_space<vmem>>, vector<16xi32>,
      %get3A_93 = vector.shape_cast %get3A_92 : vector<16xi32> to vector<16xi32>
      %convert_element_type3A_94 = arith.sitofp %get3A_93 : vector<16xi32> to vector<16xf32>
      %swap3A_95 = arith.constant 160 : index
      %swap3A_96 = tpu.vector_load %arg12[%swap3A_95] {strides = array<i32>} : memref<320xf32, #tpu.memory_space<vmem>>, vector<16xf32>,
      %swap3A_97 = vector.shape_cast %swap3A_96 : vector<16xf32> to vector<16xf32>
      %swap3A_98 = vector.shape_cast %convert_element_type3A_94 : vector<16xf32> to vector<16xf32>
      tpu.vector_store %arg12[%swap3A_95], %swap3A_98 {strides = array<i32>} : memref<320xf32, #tpu.memory_space<vmem>>, vector<16xf32>,
      %get3A_99 = arith.constant 176 : index
      %get3A_100 = tpu.vector_load %arg11[%get3A_99] {strides = array<i32>} : memref<320xi32, #tpu.memory_space<vmem>>, vector<16xi32>,
      %get3A_101 = vector.shape_cast %get3A_100 : vector<16xi32> to vector<16xi32>
      %convert_element_type3A_102 = arith.sitofp %get3A_101 : vector<16xi32> to vector<16xf32>
      %swap3A_103 = arith.constant 176 : index
      %swap3A_104 = tpu.vector_load %arg12[%swap3A_103] {strides = array<i32>} : memref<320xf32, #tpu.memory_space<vmem>>, vector<16xf32>,
      %swap3A_105 = vector.shape_cast %swap3A_104 : vector<16xf32> to vector<16xf32>
      %swap3A_106 = vector.shape_cast %convert_element_type3A_102 : vector<16xf32> to vector<16xf32>
      tpu.vector_store %arg12[%swap3A_103], %swap3A_106 {strides = array<i32>} : memref<320xf32, #tpu.memory_space<vmem>>, vector<16xf32>,
      %get3A_107 = arith.constant 192 : index
      %get3A_108 = tpu.vector_load %arg11[%get3A_107] {strides = array<i32>} : memref<320xi32, #tpu.memory_space<vmem>>, vector<16xi32>,
      %get3A_109 = vector.shape_cast %get3A_108 : vector<16xi32> to vector<16xi32>
      %convert_element_type3A_110 = arith.sitofp %get3A_109 : vector<16xi32> to vector<16xf32>
      %swap3A_111 = arith.constant 192 : index
      %swap3A_112 = tpu.vector_load %arg12[%swap3A_111] {strides = array<i32>} : memref<320xf32, #tpu.memory_space<vmem>>, vector<16xf32>,
      %swap3A_113 = vector.shape_cast %swap3A_112 : vector<16xf32> to vector<16xf32>
      %swap3A_114 = vector.shape_cast %convert_element_type3A_110 : vector<16xf32> to vector<16xf32>
      tpu.vector_store %arg12[%swap3A_111], %swap3A_114 {strides = array<i32>} : memref<320xf32, #tpu.memory_space<vmem>>, vector<16xf32>,
      %get3A_115 = arith.constant 208 : index
      %get3A_116 = tpu.vector_load %arg11[%get3A_115] {strides = array<i32>} : memref<320xi32, #tpu.memory_space<vmem>>, vector<16xi32>,
      %get3A_117 = vector.shape_cast %get3A_116 : vector<16xi32> to vector<16xi32>
      %convert_element_type3A_118 = arith.sitofp %get3A_117 : vector<16xi32> to vector<16xf32>
      %swap3A_119 = arith.constant 208 : index
      %swap3A_120 = tpu.vector_load %arg12[%swap3A_119] {strides = array<i32>} : memref<320xf32, #tpu.memory_space<vmem>>, vector<16xf32>,
      %swap3A_121 = vector.shape_cast %swap3A_120 : vector<16xf32> to vector<16xf32>
      %swap3A_122 = vector.shape_cast %convert_element_type3A_118 : vector<16xf32> to vector<16xf32>
      tpu.vector_store %arg12[%swap3A_119], %swap3A_122 {strides = array<i32>} : memref<320xf32, #tpu.memory_space<vmem>>, vector<16xf32>,
      %get3A_123 = arith.constant 224 : index
      %get3A_124 = tpu.vector_load %arg11[%get3A_123] {strides = array<i32>} : memref<320xi32, #tpu.memory_space<vmem>>, vector<16xi32>,
      %get3A_125 = vector.shape_cast %get3A_124 : vector<16xi32> to vector<16xi32>
      %convert_element_type3A_126 = arith.sitofp %get3A_125 : vector<16xi32> to vector<16xf32>
      %swap3A_127 = arith.constant 224 : index
      %swap3A_128 = tpu.vector_load %arg12[%swap3A_127] {strides = array<i32>} : memref<320xf32, #tpu.memory_space<vmem>>, vector<16xf32>,
      %swap3A_129 = vector.shape_cast %swap3A_128 : vector<16xf32> to vector<16xf32>
      %swap3A_130 = vector.shape_cast %convert_element_type3A_126 : vector<16xf32> to vector<16xf32>
      tpu.vector_store %arg12[%swap3A_127], %swap3A_130 {strides = array<i32>} : memref<320xf32, #tpu.memory_space<vmem>>, vector<16xf32>,
      %get3A_131 = arith.constant 240 : index
      %get3A_132 = tpu.vector_load %arg11[%get3A_131] {strides = array<i32>} : memref<320xi32, #tpu.memory_space<vmem>>, vector<16xi32>,
      %get3A_133 = vector.shape_cast %get3A_132 : vector<16xi32> to vector<16xi32>
      %convert_element_type3A_134 = arith.sitofp %get3A_133 : vector<16xi32> to vector<16xf32>
      %swap3A_135 = arith.constant 240 : index
      %swap3A_136 = tpu.vector_load %arg12[%swap3A_135] {strides = array<i32>} : memref<320xf32, #tpu.memory_space<vmem>>, vector<16xf32>,
      %swap3A_137 = vector.shape_cast %swap3A_136 : vector<16xf32> to vector<16xf32>
      %swap3A_138 = vector.shape_cast %convert_element_type3A_134 : vector<16xf32> to vector<16xf32>
      tpu.vector_store %arg12[%swap3A_135], %swap3A_138 {strides = array<i32>} : memref<320xf32, #tpu.memory_space<vmem>>, vector<16xf32>,
      %get3A_139 = arith.constant 256 : index
      %get3A_140 = tpu.vector_load %arg11[%get3A_139] {strides = array<i32>} : memref<320xi32, #tpu.memory_space<vmem>>, vector<16xi32>,
      %get3A_141 = vector.shape_cast %get3A_140 : vector<16xi32> to vector<16xi32>
      %convert_element_type3A_142 = arith.sitofp %get3A_141 : vector<16xi32> to vector<16xf32>
      %swap3A_143 = arith.constant 256 : index
      %swap3A_144 = tpu.vector_load %arg12[%swap3A_143] {strides = array<i32>} : memref<320xf32, #tpu.memory_space<vmem>>, vector<16xf32>,
      %swap3A_145 = vector.shape_cast %swap3A_144 : vector<16xf32> to vector<16xf32>
      %swap3A_146 = vector.shape_cast %convert_element_type3A_142 : vector<16xf32> to vector<16xf32>
      tpu.vector_store %arg12[%swap3A_143], %swap3A_146 {strides = array<i32>} : memref<320xf32, #tpu.memory_space<vmem>>, vector<16xf32>,
      %get3A_147 = arith.constant 272 : index
      %get3A_148 = tpu.vector_load %arg11[%get3A_147] {strides = array<i32>} : memref<320xi32, #tpu.memory_space<vmem>>, vector<16xi32>,
      %get3A_149 = vector.shape_cast %get3A_148 : vector<16xi32> to vector<16xi32>
      %convert_element_type3A_150 = arith.sitofp %get3A_149 : vector<16xi32> to vector<16xf32>
      %swap3A_151 = arith.constant 272 : index
      %swap3A_152 = tpu.vector_load %arg12[%swap3A_151] {strides = array<i32>} : memref<320xf32, #tpu.memory_space<vmem>>, vector<16xf32>,
      %swap3A_153 = vector.shape_cast %swap3A_152 : vector<16xf32> to vector<16xf32>
      %swap3A_154 = vector.shape_cast %convert_element_type3A_150 : vector<16xf32> to vector<16xf32>
      tpu.vector_store %arg12[%swap3A_151], %swap3A_154 {strides = array<i32>} : memref<320xf32, #tpu.memory_space<vmem>>, vector<16xf32>,
      %get3A_155 = arith.constant 288 : index
      %get3A_156 = tpu.vector_load %arg11[%get3A_155] {strides = array<i32>} : memref<320xi32, #tpu.memory_space<vmem>>, vector<16xi32>,
      %get3A_157 = vector.shape_cast %get3A_156 : vector<16xi32> to vector<16xi32>
      %convert_element_type3A_158 = arith.sitofp %get3A_157 : vector<16xi32> to vector<16xf32>
      %swap3A_159 = arith.constant 288 : index
      %swap3A_160 = tpu.vector_load %arg12[%swap3A_159] {strides = array<i32>} : memref<320xf32, #tpu.memory_space<vmem>>, vector<16xf32>,
      %swap3A_161 = vector.shape_cast %swap3A_160 : vector<16xf32> to vector<16xf32>
      %swap3A_162 = vector.shape_cast %convert_element_type3A_158 : vector<16xf32> to vector<16xf32>
      tpu.vector_store %arg12[%swap3A_159], %swap3A_162 {strides = array<i32>} : memref<320xf32, #tpu.memory_space<vmem>>, vector<16xf32>,
      %get3A_163 = arith.constant 304 : index
      %get3A_164 = tpu.vector_load %arg11[%get3A_163] {strides = array<i32>} : memref<320xi32, #tpu.memory_space<vmem>>, vector<16xi32>,
      %get3A_165 = vector.shape_cast %get3A_164 : vector<16xi32> to vector<16xi32>
      %convert_element_type3A_166 = arith.sitofp %get3A_165 : vector<16xi32> to vector<16xf32>
      %swap3A_167 = arith.constant 304 : index
      %swap3A_168 = tpu.vector_load %arg12[%swap3A_167] {strides = array<i32>} : memref<320xf32, #tpu.memory_space<vmem>>, vector<16xf32>,
      %swap3A_169 = vector.shape_cast %swap3A_168 : vector<16xf32> to vector<16xf32>
      %swap3A_170 = vector.shape_cast %convert_element_type3A_166 : vector<16xf32> to vector<16xf32>
      tpu.vector_store %arg12[%swap3A_167], %swap3A_170 {strides = array<i32>} : memref<320xf32, #tpu.memory_space<vmem>>, vector<16xf32>,
      "tpu.region"() ({
        %run_scoped3A = tpu.sem_alloc : memref<!tpu.dma_semaphore, #tpu.memory_space<semaphore_mem>>
        %dma_start3A_171 = tpu.memref_slice %arg6[%mul3A_2] : memref<10000xf32, #tpu.memory_space<hbm>> -> memref<320xf32, #tpu.memory_space<hbm>>
        %dma_start3A_172 = tpu.memref_slice %arg6[%mul3A_2] : memref<10000xf32, #tpu.memory_space<hbm>> -> memref<320xf32, #tpu.memory_space<hbm>>
        tpu.enqueue_dma source(%arg12 : memref<320xf32, #tpu.memory_space<vmem>>) target(%dma_start3A_172 : memref<320xf32, #tpu.memory_space<hbm>>) target_semaphore(%run_scoped3A : memref<!tpu.dma_semaphore, #tpu.memory_space<semaphore_mem>>)
        %dma_wait3A_173 = tpu.memref_slice %arg6[%mul3A_2] : memref<10000xf32, #tpu.memory_space<hbm>> -> memref<320xf32, #tpu.memory_space<hbm>>
        %dma_wait3A_174 = tpu.memref_slice %arg6[%mul3A_2] : memref<10000xf32, #tpu.memory_space<hbm>> -> memref<320xf32, #tpu.memory_space<hbm>>
        tpu.wait_dma2 semaphore(%run_scoped3A : memref<!tpu.dma_semaphore, #tpu.memory_space<semaphore_mem>>) src(%arg12 : memref<320xf32, #tpu.memory_space<vmem>>) dst(%dma_wait3A_174 : memref<320xf32, #tpu.memory_space<hbm>>)
        tpu.yield
      }) : () -> ()
    } else {
    }
    %eq3A = arith.constant 31 : i32
    %eq3A_5 = arith.cmpi eq, %add3A, %eq3A : i32
    %convert_element_type3A_6 = arith.extui %eq3A_5 : i1 to i32
    %cond3A_7 = arith.constant 0 : i32
    %cond3A_8 = arith.cmpi ne, %convert_element_type3A_6, %cond3A_7 : i32
    scf.if %cond3A_8 {
      "tpu.region"() ({
        %run_scoped3A = tpu.sem_alloc : memref<!tpu.dma_semaphore, #tpu.memory_space<semaphore_mem>>
        %dma_start3A_51 = tpu.memref_slice %arg3[%mul3A_2] : memref<10000xi32, #tpu.memory_space<hbm>> -> memref<80xi32, #tpu.memory_space<hbm>>
        %dma_start3A_52 = tpu.memref_slice %arg3[%mul3A_2] : memref<10000xi32, #tpu.memory_space<hbm>> -> memref<80xi32, #tpu.memory_space<hbm>>
        tpu.enqueue_dma source(%dma_start3A_52 : memref<80xi32, #tpu.memory_space<hbm>>) target(%arg9 : memref<80xi32, #tpu.memory_space<vmem>>) target_semaphore(%run_scoped3A : memref<!tpu.dma_semaphore, #tpu.memory_space<semaphore_mem>>)
        %dma_wait3A_53 = tpu.memref_slice %arg3[%mul3A_2] : memref<10000xi32, #tpu.memory_space<hbm>> -> memref<80xi32, #tpu.memory_space<hbm>>
        %dma_wait3A_54 = tpu.memref_slice %arg3[%mul3A_2] : memref<10000xi32, #tpu.memory_space<hbm>> -> memref<80xi32, #tpu.memory_space<hbm>>
        tpu.wait_dma2 semaphore(%run_scoped3A : memref<!tpu.dma_semaphore, #tpu.memory_space<semaphore_mem>>) src(%dma_wait3A_54 : memref<80xi32, #tpu.memory_space<hbm>>) dst(%arg9 : memref<80xi32, #tpu.memory_space<vmem>>)
        tpu.yield
      }) : () -> ()
      %dma_start3A = arith.constant 0 : i32
      %dma_start3A_9 = arith.constant 0 : i32
      %dma_start3A_10 = tpu.memref_slice %arg2[%dma_start3A, %dma_start3A_9] : memref<100x128xf32, #tpu.memory_space<hbm>> -> memref<100x128xf32, #tpu.memory_space<hbm>>
      tpu.enqueue_indirect_dma source(%dma_start3A_10 : memref<100x128xf32, #tpu.memory_space<hbm>>) target(%arg10 : memref<80x128xf32, #tpu.memory_space<vmem>>) offsets(%arg9 : memref<80xi32, #tpu.memory_space<vmem>>) semaphore(%arg13 : memref<!tpu.dma_semaphore, #tpu.memory_space<semaphore_mem>>)
      %dma_wait3A = arith.constant 0 : i32
      %dma_wait3A_11 = arith.constant 0 : i32
      %dma_wait3A_12 = tpu.memref_slice %arg2[%dma_wait3A, %dma_wait3A_11] : memref<100x128xf32, #tpu.memory_space<hbm>> -> memref<100x128xf32, #tpu.memory_space<hbm>>
      tpu.wait_indirect_dma semaphore(%arg13 : memref<!tpu.dma_semaphore, #tpu.memory_space<semaphore_mem>>) src(%dma_wait3A_12 : memref<100x128xf32, #tpu.memory_space<hbm>>) dst(%arg10 : memref<80x128xf32, #tpu.memory_space<vmem>>)
      "tpu.region"() ({
        %run_scoped3A = tpu.sem_alloc : memref<!tpu.dma_semaphore, #tpu.memory_space<semaphore_mem>>
        %dma_start3A_51 = arith.constant 0 : i32
        %dma_start3A_52 = tpu.memref_slice %arg5[%mul3A_2, %dma_start3A_51] : memref<10000x128xf32, #tpu.memory_space<hbm>> -> memref<80x128xf32, #tpu.memory_space<hbm>>
        %dma_start3A_53 = arith.constant 0 : i32
        %dma_start3A_54 = tpu.memref_slice %arg5[%mul3A_2, %dma_start3A_53] : memref<10000x128xf32, #tpu.memory_space<hbm>> -> memref<80x128xf32, #tpu.memory_space<hbm>>
        tpu.enqueue_dma source(%arg10 : memref<80x128xf32, #tpu.memory_space<vmem>>) target(%dma_start3A_54 : memref<80x128xf32, #tpu.memory_space<hbm>>) target_semaphore(%run_scoped3A : memref<!tpu.dma_semaphore, #tpu.memory_space<semaphore_mem>>)
        %dma_wait3A_55 = arith.constant 0 : i32
        %dma_wait3A_56 = tpu.memref_slice %arg5[%mul3A_2, %dma_wait3A_55] : memref<10000x128xf32, #tpu.memory_space<hbm>> -> memref<80x128xf32, #tpu.memory_space<hbm>>
        %dma_wait3A_57 = arith.constant 0 : i32
        %dma_wait3A_58 = tpu.memref_slice %arg5[%mul3A_2, %dma_wait3A_57] : memref<10000x128xf32, #tpu.memory_space<hbm>> -> memref<80x128xf32, #tpu.memory_space<hbm>>
        tpu.wait_dma2 semaphore(%run_scoped3A : memref<!tpu.dma_semaphore, #tpu.memory_space<semaphore_mem>>) src(%arg10 : memref<80x128xf32, #tpu.memory_space<vmem>>) dst(%dma_wait3A_58 : memref<80x128xf32, #tpu.memory_space<hbm>>)
        tpu.yield
      }) : () -> ()
      "tpu.region"() ({
        %run_scoped3A = tpu.sem_alloc : memref<!tpu.dma_semaphore, #tpu.memory_space<semaphore_mem>>
        %dma_start3A_51 = arith.constant 0 : i32
        %dma_start3A_52 = tpu.memref_slice %arg11[%dma_start3A_51] : memref<320xi32, #tpu.memory_space<vmem>> -> memref<80xi32, #tpu.memory_space<vmem>>
        %dma_start3A_53 = tpu.memref_slice %arg4[%mul3A_2] : memref<10000xi32, #tpu.memory_space<hbm>> -> memref<80xi32, #tpu.memory_space<hbm>>
        %dma_start3A_54 = arith.constant 0 : i32
        %dma_start3A_55 = tpu.memref_slice %arg11[%dma_start3A_54] : memref<320xi32, #tpu.memory_space<vmem>> -> memref<80xi32, #tpu.memory_space<vmem>>
        %dma_start3A_56 = tpu.memref_slice %arg4[%mul3A_2] : memref<10000xi32, #tpu.memory_space<hbm>> -> memref<80xi32, #tpu.memory_space<hbm>>
        tpu.enqueue_dma source(%dma_start3A_56 : memref<80xi32, #tpu.memory_space<hbm>>) target(%dma_start3A_55 : memref<80xi32, #tpu.memory_space<vmem>>) target_semaphore(%run_scoped3A : memref<!tpu.dma_semaphore, #tpu.memory_space<semaphore_mem>>)
        %dma_wait3A_57 = arith.constant 0 : i32
        %dma_wait3A_58 = tpu.memref_slice %arg11[%dma_wait3A_57] : memref<320xi32, #tpu.memory_space<vmem>> -> memref<80xi32, #tpu.memory_space<vmem>>
        %dma_wait3A_59 = tpu.memref_slice %arg4[%mul3A_2] : memref<10000xi32, #tpu.memory_space<hbm>> -> memref<80xi32, #tpu.memory_space<hbm>>
        %dma_wait3A_60 = arith.constant 0 : i32
        %dma_wait3A_61 = tpu.memref_slice %arg11[%dma_wait3A_60] : memref<320xi32, #tpu.memory_space<vmem>> -> memref<80xi32, #tpu.memory_space<vmem>>
        %dma_wait3A_62 = tpu.memref_slice %arg4[%mul3A_2] : memref<10000xi32, #tpu.memory_space<hbm>> -> memref<80xi32, #tpu.memory_space<hbm>>
        tpu.wait_dma2 semaphore(%run_scoped3A : memref<!tpu.dma_semaphore, #tpu.memory_space<semaphore_mem>>) src(%dma_wait3A_62 : memref<80xi32, #tpu.memory_space<hbm>>) dst(%dma_wait3A_61 : memref<80xi32, #tpu.memory_space<vmem>>)
        tpu.yield
      }) : () -> ()
      %get3A = arith.constant 0 : index
      %get3A_13 = tpu.vector_load %arg11[%get3A] {strides = array<i32>} : memref<320xi32, #tpu.memory_space<vmem>>, vector<16xi32>,
      %get3A_14 = vector.shape_cast %get3A_13 : vector<16xi32> to vector<16xi32>
      %convert_element_type3A_15 = arith.sitofp %get3A_14 : vector<16xi32> to vector<16xf32>
      %swap3A = arith.constant 0 : index
      %swap3A_16 = tpu.vector_load %arg12[%swap3A] {strides = array<i32>} : memref<320xf32, #tpu.memory_space<vmem>>, vector<16xf32>,
      %swap3A_17 = vector.shape_cast %swap3A_16 : vector<16xf32> to vector<16xf32>
      %swap3A_18 = vector.shape_cast %convert_element_type3A_15 : vector<16xf32> to vector<16xf32>
      tpu.vector_store %arg12[%swap3A], %swap3A_18 {strides = array<i32>} : memref<320xf32, #tpu.memory_space<vmem>>, vector<16xf32>,
      %get3A_19 = arith.constant 16 : index
      %get3A_20 = tpu.vector_load %arg11[%get3A_19] {strides = array<i32>} : memref<320xi32, #tpu.memory_space<vmem>>, vector<16xi32>,
      %get3A_21 = vector.shape_cast %get3A_20 : vector<16xi32> to vector<16xi32>
      %convert_element_type3A_22 = arith.sitofp %get3A_21 : vector<16xi32> to vector<16xf32>
      %swap3A_23 = arith.constant 16 : index
      %swap3A_24 = tpu.vector_load %arg12[%swap3A_23] {strides = array<i32>} : memref<320xf32, #tpu.memory_space<vmem>>, vector<16xf32>,
      %swap3A_25 = vector.shape_cast %swap3A_24 : vector<16xf32> to vector<16xf32>
      %swap3A_26 = vector.shape_cast %convert_element_type3A_22 : vector<16xf32> to vector<16xf32>
      tpu.vector_store %arg12[%swap3A_23], %swap3A_26 {strides = array<i32>} : memref<320xf32, #tpu.memory_space<vmem>>, vector<16xf32>,
      %get3A_27 = arith.constant 32 : index
      %get3A_28 = tpu.vector_load %arg11[%get3A_27] {strides = array<i32>} : memref<320xi32, #tpu.memory_space<vmem>>, vector<16xi32>,
      %get3A_29 = vector.shape_cast %get3A_28 : vector<16xi32> to vector<16xi32>
      %convert_element_type3A_30 = arith.sitofp %get3A_29 : vector<16xi32> to vector<16xf32>
      %swap3A_31 = arith.constant 32 : index
      %swap3A_32 = tpu.vector_load %arg12[%swap3A_31] {strides = array<i32>} : memref<320xf32, #tpu.memory_space<vmem>>, vector<16xf32>,
      %swap3A_33 = vector.shape_cast %swap3A_32 : vector<16xf32> to vector<16xf32>
      %swap3A_34 = vector.shape_cast %convert_element_type3A_30 : vector<16xf32> to vector<16xf32>
      tpu.vector_store %arg12[%swap3A_31], %swap3A_34 {strides = array<i32>} : memref<320xf32, #tpu.memory_space<vmem>>, vector<16xf32>,
      %get3A_35 = arith.constant 48 : index
      %get3A_36 = tpu.vector_load %arg11[%get3A_35] {strides = array<i32>} : memref<320xi32, #tpu.memory_space<vmem>>, vector<16xi32>,
      %get3A_37 = vector.shape_cast %get3A_36 : vector<16xi32> to vector<16xi32>
      %convert_element_type3A_38 = arith.sitofp %get3A_37 : vector<16xi32> to vector<16xf32>
      %swap3A_39 = arith.constant 48 : index
      %swap3A_40 = tpu.vector_load %arg12[%swap3A_39] {strides = array<i32>} : memref<320xf32, #tpu.memory_space<vmem>>, vector<16xf32>,
      %swap3A_41 = vector.shape_cast %swap3A_40 : vector<16xf32> to vector<16xf32>
      %swap3A_42 = vector.shape_cast %convert_element_type3A_38 : vector<16xf32> to vector<16xf32>
      tpu.vector_store %arg12[%swap3A_39], %swap3A_42 {strides = array<i32>} : memref<320xf32, #tpu.memory_space<vmem>>, vector<16xf32>,
      %get3A_43 = arith.constant 64 : index
      %get3A_44 = tpu.vector_load %arg11[%get3A_43] {strides = array<i32>} : memref<320xi32, #tpu.memory_space<vmem>>, vector<16xi32>,
      %get3A_45 = vector.shape_cast %get3A_44 : vector<16xi32> to vector<16xi32>
      %convert_element_type3A_46 = arith.sitofp %get3A_45 : vector<16xi32> to vector<16xf32>
      %swap3A_47 = arith.constant 64 : index
      %swap3A_48 = tpu.vector_load %arg12[%swap3A_47] {strides = array<i32>} : memref<320xf32, #tpu.memory_space<vmem>>, vector<16xf32>,
      %swap3A_49 = vector.shape_cast %swap3A_48 : vector<16xf32> to vector<16xf32>
      %swap3A_50 = vector.shape_cast %convert_element_type3A_46 : vector<16xf32> to vector<16xf32>
      tpu.vector_store %arg12[%swap3A_47], %swap3A_50 {strides = array<i32>} : memref<320xf32, #tpu.memory_space<vmem>>, vector<16xf32>,
      "tpu.region"() ({
        %run_scoped3A = tpu.sem_alloc : memref<!tpu.dma_semaphore, #tpu.memory_space<semaphore_mem>>
        %dma_start3A_51 = arith.constant 0 : i32
        %dma_start3A_52 = tpu.memref_slice %arg12[%dma_start3A_51] : memref<320xf32, #tpu.memory_space<vmem>> -> memref<80xf32, #tpu.memory_space<vmem>>
        %dma_start3A_53 = tpu.memref_slice %arg6[%mul3A_2] : memref<10000xf32, #tpu.memory_space<hbm>> -> memref<80xf32, #tpu.memory_space<hbm>>
        %dma_start3A_54 = tpu.memref_slice %arg6[%mul3A_2] : memref<10000xf32, #tpu.memory_space<hbm>> -> memref<80xf32, #tpu.memory_space<hbm>>
        %dma_start3A_55 = arith.constant 0 : i32
        %dma_start3A_56 = tpu.memref_slice %arg12[%dma_start3A_55] : memref<320xf32, #tpu.memory_space<vmem>> -> memref<80xf32, #tpu.memory_space<vmem>>
        tpu.enqueue_dma source(%dma_start3A_56 : memref<80xf32, #tpu.memory_space<vmem>>) target(%dma_start3A_54 : memref<80xf32, #tpu.memory_space<hbm>>) target_semaphore(%run_scoped3A : memref<!tpu.dma_semaphore, #tpu.memory_space<semaphore_mem>>)
        %dma_wait3A_57 = arith.constant 0 : i32
        %dma_wait3A_58 = tpu.memref_slice %arg12[%dma_wait3A_57] : memref<320xf32, #tpu.memory_space<vmem>> -> memref<80xf32, #tpu.memory_space<vmem>>
        %dma_wait3A_59 = tpu.memref_slice %arg6[%mul3A_2] : memref<10000xf32, #tpu.memory_space<hbm>> -> memref<80xf32, #tpu.memory_space<hbm>>
        %dma_wait3A_60 = tpu.memref_slice %arg6[%mul3A_2] : memref<10000xf32, #tpu.memory_space<hbm>> -> memref<80xf32, #tpu.memory_space<hbm>>
        %dma_wait3A_61 = arith.constant 0 : i32
        %dma_wait3A_62 = tpu.memref_slice %arg12[%dma_wait3A_61] : memref<320xf32, #tpu.memory_space<vmem>> -> memref<80xf32, #tpu.memory_space<vmem>>
        tpu.wait_dma2 semaphore(%run_scoped3A : memref<!tpu.dma_semaphore, #tpu.memory_space<semaphore_mem>>) src(%dma_wait3A_62 : memref<80xf32, #tpu.memory_space<vmem>>) dst(%dma_wait3A_60 : memref<80xf32, #tpu.memory_space<hbm>>)
        tpu.yield
      }) : () -> ()
    } else {
    }
    return
  }
}

module attributes {stable_mosaic.version = 14 : i64} {
  func.func @_edge_kernel(%arg0: i32, %arg1: memref<1xf32, #tpu.memory_space<smem>>, %arg2: memref<1x100x128xf32, #tpu.memory_space<vmem>>, %arg3: memref<1x100x128xf32, #tpu.memory_space<vmem>>, %arg4: memref<1x100x128xf32, #tpu.memory_space<vmem>>, %arg5: memref<1x100x128xi32, #tpu.memory_space<vmem>>, %arg6: memref<1x100x128xi32, #tpu.memory_space<vmem>>, %arg7: memref<128x128xbf16, #tpu.memory_space<vmem>>, %arg8: memref<128x128xbf16, #tpu.memory_space<vmem>>, %arg9: memref<12800x128xf32, #tpu.memory_space<vmem>>, %arg10: memref<12800x128xf32, #tpu.memory_space<vmem>>) attributes {dimension_semantics = [#tpu.dimension_semantics<arbitrary>], iteration_bounds = array<i64: 25>, scalar_prefetch = 0 : i64, scratch_operands = 0 : i64, tpu.core_type = #tpu.core_type<tc>, window_params = [{transform_indices = @transform_0, window_bounds = array<i64: 1>}, {transform_indices = @transform_1, window_bounds = array<i64: 1, 100, 128>}, {transform_indices = @transform_2, window_bounds = array<i64: 1, 100, 128>}, {transform_indices = @transform_3, window_bounds = array<i64: 1, 100, 128>}, {transform_indices = @transform_4, window_bounds = array<i64: 1, 100, 128>}, {transform_indices = @transform_5, window_bounds = array<i64: 1, 100, 128>}, {pipeline_mode = #tpu.pipeline_mode<synchronous>, transform_indices = @transform_6, window_bounds = array<i64: 128, 128>}, {pipeline_mode = #tpu.pipeline_mode<synchronous>, transform_indices = @transform_7, window_bounds = array<i64: 128, 128>}, {transform_indices = @transform_8, window_bounds = array<i64: 12800, 128>}, {transform_indices = @transform_9, window_bounds = array<i64: 12800, 128>}]} {
    %get3A = arith.constant 0 : index
    %get3A_0 = memref.load %arg1[%get3A] : memref<1xf32, #tpu.memory_space<smem>>
    %get3A_1 = arith.constant 0 : index
    %get3A_2 = arith.constant 0 : index
    %get3A_3 = arith.constant 0 : index
    %get3A_4 = vector.load %arg2[%get3A_1, %get3A_2, %get3A_3] : memref<1x100x128xf32, #tpu.memory_space<vmem>>, vector<1x100x128xf32>
    %get3A_5 = vector.shape_cast %get3A_4 : vector<1x100x128xf32> to vector<100x128xf32>
    %get3A_6 = arith.constant 0 : index
    %get3A_7 = arith.constant 0 : index
    %get3A_8 = arith.constant 0 : index
    %get3A_9 = vector.load %arg3[%get3A_6, %get3A_7, %get3A_8] : memref<1x100x128xf32, #tpu.memory_space<vmem>>, vector<1x100x128xf32>
    %get3A_10 = vector.shape_cast %get3A_9 : vector<1x100x128xf32> to vector<100x128xf32>
    %get3A_11 = arith.constant 0 : index
    %get3A_12 = arith.constant 0 : index
    %get3A_13 = arith.constant 0 : index
    %get3A_14 = vector.load %arg4[%get3A_11, %get3A_12, %get3A_13] : memref<1x100x128xf32, #tpu.memory_space<vmem>>, vector<1x100x128xf32>
    %get3A_15 = vector.shape_cast %get3A_14 : vector<1x100x128xf32> to vector<100x128xf32>
    %mul3A = arith.mulf %get3A_5, %get3A_5 : vector<100x128xf32>
    %mul3A_16 = arith.mulf %get3A_10, %get3A_10 : vector<100x128xf32>
    %add3A = arith.addf %mul3A, %mul3A_16 : vector<100x128xf32>
    %mul3A_17 = arith.mulf %get3A_15, %get3A_15 : vector<100x128xf32>
    %add3A_18 = arith.addf %add3A, %mul3A_17 : vector<100x128xf32>
    %sqrt3A = math.sqrt %add3A_18 : vector<100x128xf32>
    %le3A = vector.broadcast %get3A_0 : f32 to vector<100x128xf32>
    %le3A_19 = arith.cmpf ole, %sqrt3A, %le3A : vector<100x128xf32>
    %jit3A = arith.constant 9.99999998E+18 : f32
    %broadcast_in_dim3A = vector.broadcast %jit3A : f32 to vector<100x128xf32>
    %select_n3A = arith.select %le3A_19, %sqrt3A, %broadcast_in_dim3A : vector<100x128xi1>, vector<100x128xf32>
    %reshape3A = vector.shape_cast %select_n3A : vector<100x128xf32> to vector<1x12800xf32>
    %convert_element_type3A = arith.truncf %reshape3A : vector<1x12800xf32> to vector<1x12800xbf16>
    %convert_element_type3A_20 = arith.extf %convert_element_type3A : vector<1x12800xbf16> to vector<1x12800xf32>
    %sub3A = arith.subf %reshape3A, %convert_element_type3A_20 : vector<1x12800xf32>
    %convert_element_type3A_21 = arith.truncf %sub3A : vector<1x12800xf32> to vector<1x12800xbf16>
    %convert_element_type3A_22 = arith.extf %convert_element_type3A_21 : vector<1x12800xbf16> to vector<1x12800xf32>
    %sub3A_23 = arith.subf %sub3A, %convert_element_type3A_22 : vector<1x12800xf32>
    %convert_element_type3A_24 = arith.truncf %sub3A_23 : vector<1x12800xf32> to vector<1x12800xbf16>
    %div3A = arith.constant 1.270000e+02 : f32
    %div3A_25 = arith.divf %get3A_0, %div3A : f32
    %convert_element_type3A_26 = arith.truncf %div3A_25 : f32 to bf16
    %convert_element_type3A_27 = arith.extf %convert_element_type3A_26 : bf16 to f32
    %sub3A_28 = arith.subf %div3A_25, %convert_element_type3A_27 : f32
    %convert_element_type3A_29 = arith.truncf %sub3A_28 : f32 to bf16
    %convert_element_type3A_30 = arith.extf %convert_element_type3A_29 : bf16 to f32
    %sub3A_31 = arith.subf %div3A_25, %convert_element_type3A_27 : f32
    %sub3A_32 = arith.subf %sub3A_31, %convert_element_type3A_30 : f32
    %convert_element_type3A_33 = arith.truncf %sub3A_32 : f32 to bf16
    %convert_element_type3A_34 = arith.extf %convert_element_type3A_33 : bf16 to f32
    %broadcast_in_dim3A_35 = arith.constant 1.000000e+00 : bf16
    %broadcast_in_dim3A_36 = vector.broadcast %broadcast_in_dim3A_35 : bf16 to vector<1x12800xbf16>
    %iota3A = tpu.iota {dimensions = array<i32: 1>} : vector<1x128xi32>
    %convert_element_type3A_37 = arith.sitofp %iota3A : vector<1x128xi32> to vector<1x128xbf16>
    %broadcast_in_dim3A_38 = arith.constant 1.000000e+00 : bf16
    %broadcast_in_dim3A_39 = vector.broadcast %broadcast_in_dim3A_38 : bf16 to vector<1x128xbf16>
    %neg3A = arith.constant 0.000000e+00 : f32
    %neg3A_40 = arith.subf %neg3A, %convert_element_type3A_27 : f32
    %broadcast_in_dim3A_41 = vector.broadcast %neg3A_40 : f32 to vector<1x12800xf32>
    %convert_element_type3A_42 = arith.truncf %broadcast_in_dim3A_41 : vector<1x12800xf32> to vector<1x12800xbf16>
    %neg3A_43 = arith.constant 0.000000e+00 : f32
    %neg3A_44 = arith.subf %neg3A_43, %convert_element_type3A_30 : f32
    %broadcast_in_dim3A_45 = vector.broadcast %neg3A_44 : f32 to vector<1x12800xf32>
    %convert_element_type3A_46 = arith.truncf %broadcast_in_dim3A_45 : vector<1x12800xf32> to vector<1x12800xbf16>
    %neg3A_47 = arith.constant 0.000000e+00 : f32
    %neg3A_48 = arith.subf %neg3A_47, %convert_element_type3A_34 : f32
    %broadcast_in_dim3A_49 = vector.broadcast %neg3A_48 : f32 to vector<1x12800xf32>
    %convert_element_type3A_50 = arith.truncf %broadcast_in_dim3A_49 : vector<1x12800xf32> to vector<1x12800xbf16>
    %concatenate3A = tpu.concatenate %convert_element_type3A, %convert_element_type3A_21, %convert_element_type3A_24, %convert_element_type3A_42, %convert_element_type3A_46, %convert_element_type3A_50 in 0 : vector<1x12800xbf16>, vector<1x12800xbf16>, vector<1x12800xbf16>, vector<1x12800xbf16>, vector<1x12800xbf16>, vector<1x12800xbf16> -> vector<6x12800xbf16>
    %concatenate3A_51 = tpu.concatenate %broadcast_in_dim3A_39, %broadcast_in_dim3A_39, %broadcast_in_dim3A_39, %convert_element_type3A_37, %convert_element_type3A_37, %convert_element_type3A_37 in 0 : vector<1x128xbf16>, vector<1x128xbf16>, vector<1x128xbf16>, vector<1x128xbf16>, vector<1x128xbf16>, vector<1x128xbf16> -> vector<6x128xbf16>
    %dot_general3A = arith.constant dense<0.000000e+00> : vector<12800x128xf32>
    %dot_general3A_52 = tpu.matmul %concatenate3A, %concatenate3A_51, %dot_general3A {dimension_numbers = #tpu.dot_dimension_numbers<[0], [0], [1], [1], [0, 1, 1, 1], [], []>, transpose_lhs_hint = false} : vector<6x12800xbf16>, vector<6x128xbf16>, vector<12800x128xf32> -> vector<12800x128xf32>
    %mul3A_53 = arith.constant -1.000000e+01 : f32
    %mul3A_54 = vector.broadcast %mul3A_53 : f32 to vector<12800x128xf32>
    %mul3A_55 = arith.mulf %mul3A_54, %dot_general3A_52 : vector<12800x128xf32>
    %mul3A_56 = arith.mulf %mul3A_55, %dot_general3A_52 : vector<12800x128xf32>
    %exp3A = math.exp %mul3A_56 : vector<12800x128xf32>
    %swap3A = arith.constant 0 : index
    %swap3A_57 = arith.constant 0 : index
    %swap3A_58 = vector.load %arg9[%swap3A, %swap3A_57] : memref<12800x128xf32, #tpu.memory_space<vmem>>, vector<12800x128xf32>
    tpu.vector_store %arg9[%swap3A, %swap3A_57], %exp3A {strides = array<i32>} : memref<12800x128xf32, #tpu.memory_space<vmem>>, vector<12800x128xf32>,
    %get3A_59 = arith.constant 0 : index
    %get3A_60 = arith.constant 0 : index
    %get3A_61 = arith.constant 0 : index
    %get3A_62 = vector.load %arg5[%get3A_59, %get3A_60, %get3A_61] : memref<1x100x128xi32, #tpu.memory_space<vmem>>, vector<1x100x128xi32>
    %get3A_63 = vector.shape_cast %get3A_62 : vector<1x100x128xi32> to vector<100x128xi32>
    %get3A_64 = arith.constant 0 : index
    %get3A_65 = arith.constant 0 : index
    %get3A_66 = arith.constant 0 : index
    %get3A_67 = vector.load %arg6[%get3A_64, %get3A_65, %get3A_66] : memref<1x100x128xi32, #tpu.memory_space<vmem>>, vector<1x100x128xi32>
    %get3A_68 = vector.shape_cast %get3A_67 : vector<1x100x128xi32> to vector<100x128xi32>
    %add3A_69 = arith.addi %get3A_63, %get3A_68 : vector<100x128xi32>
    %rem3A = arith.constant 16 : i32
    %rem3A_70 = vector.broadcast %rem3A : i32 to vector<100x128xi32>
    %rem3A_71 = arith.remsi %add3A_69, %rem3A_70 : vector<100x128xi32>
    %reshape3A_72 = vector.shape_cast %rem3A_71 : vector<100x128xi32> to vector<1x12800xi32>
    %convert_element_type3A_73 = arith.sitofp %reshape3A_72 : vector<1x12800xi32> to vector<1x12800xbf16>
    %concatenate3A_74 = tpu.concatenate %convert_element_type3A_73, %broadcast_in_dim3A_36 in 0 : vector<1x12800xbf16>, vector<1x12800xbf16> -> vector<2x12800xbf16>
    %neg3A_75 = arith.constant 0.000000e+00 : bf16
    %neg3A_76 = vector.broadcast %neg3A_75 : bf16 to vector<1x128xbf16>
    %neg3A_77 = arith.subf %neg3A_76, %convert_element_type3A_37 : vector<1x128xbf16>
    %concatenate3A_78 = tpu.concatenate %broadcast_in_dim3A_39, %neg3A_77 in 0 : vector<1x128xbf16>, vector<1x128xbf16> -> vector<2x128xbf16>
    %dot_general3A_79 = arith.constant dense<0.000000e+00> : vector<12800x128xf32>
    %dot_general3A_80 = tpu.matmul %concatenate3A_74, %concatenate3A_78, %dot_general3A_79 {dimension_numbers = #tpu.dot_dimension_numbers<[0], [0], [1], [1], [0, 1, 1, 1], [], []>, transpose_lhs_hint = false} : vector<2x12800xbf16>, vector<2x128xbf16>, vector<12800x128xf32> -> vector<12800x128xf32>
    %eq3A = arith.constant 0.000000e+00 : f32
    %eq3A_81 = vector.broadcast %eq3A : f32 to vector<12800x128xf32>
    %eq3A_82 = arith.cmpf oeq, %dot_general3A_80, %eq3A_81 : vector<12800x128xf32>
    %jit3A_83 = arith.constant 1.000000e+00 : f32
    %jit3A_84 = arith.constant 0.000000e+00 : f32
    %broadcast_in_dim3A_85 = vector.broadcast %jit3A_83 : f32 to vector<12800x128xf32>
    %broadcast_in_dim3A_86 = vector.broadcast %jit3A_84 : f32 to vector<12800x128xf32>
    %select_n3A_87 = arith.select %eq3A_82, %broadcast_in_dim3A_85, %broadcast_in_dim3A_86 : vector<12800x128xi1>, vector<12800x128xf32>
    %convert_element_type3A_88 = arith.truncf %select_n3A_87 : vector<12800x128xf32> to vector<12800x128xbf16>
    %get3A_89 = arith.constant 0 : index
    %get3A_90 = arith.constant 0 : index
    %get3A_91 = vector.load %arg7[%get3A_89, %get3A_90] : memref<128x128xbf16, #tpu.memory_space<vmem>>, vector<128x128xbf16>
    %dot_general3A_92 = arith.constant dense<0.000000e+00> : vector<12800x128xf32>
    %dot_general3A_93 = tpu.matmul %convert_element_type3A_88, %get3A_91, %dot_general3A_92 {dimension_numbers = #tpu.dot_dimension_numbers<[1], [0], [0], [1], [0, 0, 1, 1], [], []>, transpose_lhs_hint = false} : vector<12800x128xbf16>, vector<128x128xbf16>, vector<12800x128xf32> -> vector<12800x128xf32>
    %get3A_94 = arith.constant 0 : index
    %get3A_95 = arith.constant 0 : index
    %get3A_96 = vector.load %arg8[%get3A_94, %get3A_95] : memref<128x128xbf16, #tpu.memory_space<vmem>>, vector<128x128xbf16>
    %dot_general3A_97 = arith.constant dense<0.000000e+00> : vector<12800x128xf32>
    %dot_general3A_98 = tpu.matmul %convert_element_type3A_88, %get3A_96, %dot_general3A_97 {dimension_numbers = #tpu.dot_dimension_numbers<[1], [0], [0], [1], [0, 0, 1, 1], [], []>, transpose_lhs_hint = false} : vector<12800x128xbf16>, vector<128x128xbf16>, vector<12800x128xf32> -> vector<12800x128xf32>
    %add3A_99 = arith.addf %dot_general3A_93, %dot_general3A_98 : vector<12800x128xf32>
    %swap3A_100 = arith.constant 0 : index
    %swap3A_101 = arith.constant 0 : index
    %swap3A_102 = vector.load %arg10[%swap3A_100, %swap3A_101] : memref<12800x128xf32, #tpu.memory_space<vmem>>, vector<12800x128xf32>
    tpu.vector_store %arg10[%swap3A_100, %swap3A_101], %add3A_99 {strides = array<i32>} : memref<12800x128xf32, #tpu.memory_space<vmem>>, vector<12800x128xf32>,
    return
  }
  func.func @transform_0(%arg0: i32) -> i32 {
    %c0_i32 = arith.constant 0 : i32
    %c0_i32_0 = arith.constant 0 : i32
    return %c0_i32 : i32
  }
  func.func @transform_1(%arg0: i32) -> (i32, i32, i32) {
    %c0_i32 = arith.constant 0 : i32
    %c0_i32_0 = arith.constant 0 : i32
    %c0_i32_1 = arith.constant 0 : i32
    return %arg0, %c0_i32, %c0_i32_0 : i32, i32, i32
  }
  func.func @transform_2(%arg0: i32) -> (i32, i32, i32) {
    %c0_i32 = arith.constant 0 : i32
    %c0_i32_0 = arith.constant 0 : i32
    %c0_i32_1 = arith.constant 0 : i32
    return %arg0, %c0_i32, %c0_i32_0 : i32, i32, i32
  }
  func.func @transform_3(%arg0: i32) -> (i32, i32, i32) {
    %c0_i32 = arith.constant 0 : i32
    %c0_i32_0 = arith.constant 0 : i32
    %c0_i32_1 = arith.constant 0 : i32
    return %arg0, %c0_i32, %c0_i32_0 : i32, i32, i32
  }
  func.func @transform_4(%arg0: i32) -> (i32, i32, i32) {
    %c0_i32 = arith.constant 0 : i32
    %c0_i32_0 = arith.constant 0 : i32
    %c0_i32_1 = arith.constant 0 : i32
    return %arg0, %c0_i32, %c0_i32_0 : i32, i32, i32
  }
  func.func @transform_5(%arg0: i32) -> (i32, i32, i32) {
    %c0_i32 = arith.constant 0 : i32
    %c0_i32_0 = arith.constant 0 : i32
    %c0_i32_1 = arith.constant 0 : i32
    return %arg0, %c0_i32, %c0_i32_0 : i32, i32, i32
  }
  func.func @transform_6(%arg0: i32) -> (i32, i32) {
    %c0_i32 = arith.constant 0 : i32
    %c0_i32_0 = arith.constant 0 : i32
    %c0_i32_1 = arith.constant 0 : i32
    return %c0_i32, %c0_i32_0 : i32, i32
  }
  func.func @transform_7(%arg0: i32) -> (i32, i32) {
    %c0_i32 = arith.constant 0 : i32
    %c0_i32_0 = arith.constant 0 : i32
    %c0_i32_1 = arith.constant 0 : i32
    return %c0_i32, %c0_i32_0 : i32, i32
  }
  func.func @transform_8(%arg0: i32) -> (i32, i32) {
    %c0_i32 = arith.constant 0 : i32
    %c0_i32_0 = arith.constant 0 : i32
    return %arg0, %c0_i32 : i32, i32
  }
  func.func @transform_9(%arg0: i32) -> (i32, i32) {
    %c0_i32 = arith.constant 0 : i32
    %c0_i32_0 = arith.constant 0 : i32
    return %arg0, %c0_i32 : i32, i32
  }
}

</mosaic_0001>

<sc_bundles>
// kernel: kernel.4.cloned.1.call-start
scs
__scs_entry_jumppad:
0x0: {  	(pc) =	sbr.rel $0x88, $3  }
0x1: {  	(tag) =	ssettag $0x0;
	lr =	simm.s32 $0x1  }
0x2: {  	[smem:$0x3F99] =	sst lr;
	_ =	strace $0xD0000000  }
0x3: {  	_ = 	snop  }
0x4: {  	_ = 	snop  }
0x5: {  	_ = 	snop  }
0x6: {  	_ = 	snop  }
0x7: {  	_ = 	snop  }
__scs_overlays_trampoline_lowered:
0x8: {  	[smem:$0x3FA8] =	sst s0  }
0x9: {  	[smem:$0x3FA9] =	sst s1  }
0xa: {  	[smem:$0x3FAA] =	sst s2  }
0xb: {  	[smem:$0x3FAB] =	sst s3  }
0xc: {  	[smem:$0x3FAC] =	sst s4  }
0xd: {  	[smem:$0x3FAD] =	sst s5  }
0xe: {  	[smem:$0x3FAE] =	sst s6  }
0xf: {  	[smem:$0x3FAF] =	sst s7  }
0x10: {  	[smem:$0x3FB0] =	sst s8  }
0x11: {  	[smem:$0x3FB1] =	sst s9;
	s0 =	simm.s32 @!p0 $0x0  }
0x12: {  	s1 =	sld [smem:$0x3F97];
	s0 =	simm.s32 @p0 $0x1  }
0x13: {  	[smem:$0x3FB2] =	sst s0;
	s0 =	simm.s32 @!p1 $0x0  }
0x14: {  	s2 =	sld [smem:$0x3F96];
	s0 =	simm.s32 @p1 $0x1  }
0x15: {  	[smem:$0x3FB3] =	sst s0;
	s0 =	simm.s32 @!p2 $0x0  }
0x16: {  	s3 =	sld [smem:$0x3FDB];
	s0 =	simm.s32 @p2 $0x1  }
0x17: {  	s4 =	simm.s32 $0x1BF5;
	[smem:$0x3FB5] =	sst s0  }
0x18: {  	s0 =	sld [smem:$0x3F98];
	_ =	swait.ge [sflag:s4], $0x0  }
0x19: {  	s7 =	sld [smem:$0x3F99]  }
0x1a: {  	s8 =	sadd.s32 $0xFFFFE003, lr  }
0x1b: {  	s9 =	sadd.s32 $0xFFFFFEF7, lr;
	s5 =	simm.s32 $0xFFFFFFFF;
	p2 =	slt.u32 s8, $0xFFFFF086  }
0x1c: {  	p1 =	slt.u32 s9, $0xF7A;
	s5 =	simm.s32 @!p2 $0x0  }
0x1d: {  	s5 =	simm.s32 @p1 $0x1;
	p0 =	seq.s32 s7, s2  }
0x1e: {  	s7 =	smul.u32 @!p0 $0xF7A, s2;
	p2 =	seq.s32 @!p0 s5, $0x0  }
0x1f: {  	s9 =	smul.u32 $0xF7A, s1;
	s8 =	simm.s32 @!p0 $0x1BF5;
	p2 =	por !p2, p0  }
0x20: {  	[sflag:s8] =	ssyncset.s32 @!p0 $0xFFFFF086;
	s6 =	sadd.s32 @!p0 s3, s7;
	s7 =	simm.s32 @!p0 $0x108  }
0x21: {  	s3 =	sadd.s32 s3, s9;
	s6 =	sadd.s32 @!p0 $0x88, s6;
	s7 =	simm.s32 @p2 $0x1082  }
0x22: {  	[simem:s7], [sflag:s8] =	dma.local @!p0 [hbm:s6], $0xF7A  }
0x23: {  	s9 =	sor.u32 $0xD0000000, s2;
	s6 =	simm.s32 $0x108;
	_ =	swait.ge @!p0 [sflag:s8], $0x0  }
0x24: {  	s3 =	sadd.s32 $0x88, s3;
	s6 =	simm.s32 @!p1 $0x1082;
	[sflag:s4] =	ssyncset.s32 $0xFFFFF086  }
0x25: {  	[simem:s6], [sflag:s4] =	dma.local [hbm:s3], $0xF7A  }
0x26: {  	[smem:$0x3F99] =	sst s1;
	(tag) =	ssettag s2;
	_ =	strace s9  }
0x27: {  	s1 =	sld [smem:$0x3FA9]  }
0x28: {  	s2 =	sld [smem:$0x3FAA]  }
0x29: {  	s4 =	sld [smem:$0x3FAC]  }
0x2a: {  	p0 =	seq.s32 s5, $0x0;
	s5 =	sld [smem:$0x3FAD]  }
0x2b: {  	s6 =	sld [smem:$0x3FAE]  }
0x2c: {  	s7 =	sld [smem:$0x3FAF]  }
0x2d: {  	s3 =	simm.s32 $0x108;
	s8 =	sld [smem:$0x3FB0]  }
0x2e: {  	s3 =	simm.s32 @!p0 $0x1082;
	s9 =	sld [smem:$0x3FB1]  }
0x2f: {  	lr =	sadd.s32 s0, s3;
	s0 =	sld [smem:$0x3FA8]  }
0x30: {  	s3 =	sld [smem:$0x3FAB]  }
0x31: {  	[smem:$0x3FB4] =	sst s10  }
0x32: {  	s10 =	sld [smem:$0x3FB2];
	_ =	sdelay $0x3  }
0x33: {  	p0 =	seq.s32 s10, $0x1;
	s10 =	sld [smem:$0x3FB4];
	_ =	sdelay $0x3  }
0x34: {  	[smem:$0x3FB4] =	sst s10  }
0x35: {  	s10 =	sld [smem:$0x3FB3];
	_ =	sdelay $0x3  }
0x36: {  	p1 =	seq.s32 s10, $0x1;
	s10 =	sld [smem:$0x3FB4];
	_ =	sdelay $0x3  }
0x37: {  	[smem:$0x3FB4] =	sst s10  }
0x38: {  	s10 =	sld [smem:$0x3FB5]  }
0x39: {  	_ = 	snop;
	(pc) =	sbr.ind lr, $3  }
0x3a: {  	_ = 	snop  }
0x3b: {  	_ = 	snop  }
0x3c: {  	p2 =	seq.s32 s10, $0x1;
	s10 =	sld [smem:$0x3FB4]  }
0x3d: {  	_ =	shalt  }
0x3e: {  	_ =	shalt  }
0x3f: {  	_ =	shalt  }
0x40: {  	_ =	shalt  }
0x41: {  	_ =	shalt  }
0x42: {  	_ =	shalt  }
0x43: {  	_ =	shalt  }
0x44: {  	_ =	shalt  }
0x45: {  	_ =	shalt  }
0x46: {  	_ =	shalt  }
0x47: {  	_ =	shalt  }
0x48: {  	_ =	shalt  }
0x49: {  	_ =	shalt  }
0x4a: {  	_ =	shalt  }
0x4b: {  	_ =	shalt  }
0x4c: {  	_ =	shalt  }
0x4d: {  	_ =	shalt  }
0x4e: {  	_ =	shalt  }
0x4f: {  	_ =	shalt  }
0x50: {  	_ =	shalt  }
0x51: {  	_ =	shalt  }
0x52: {  	_ =	shalt  }
0x53: {  	_ =	shalt  }
0x54: {  	_ =	shalt  }
0x55: {  	_ =	shalt  }
0x56: {  	_ =	shalt  }
0x57: {  	_ =	shalt  }
0x58: {  	_ =	shalt  }
0x59: {  	_ =	shalt  }
0x5a: {  	_ =	shalt  }
0x5b: {  	_ =	shalt  }
0x5c: {  	_ =	shalt  }
0x5d: {  	_ =	shalt  }
0x5e: {  	_ =	shalt  }
0x5f: {  	_ =	shalt  }
0x60: {  	_ =	shalt  }
0x61: {  	_ =	shalt  }
0x62: {  	_ =	shalt  }
0x63: {  	_ =	shalt  }
0x64: {  	_ =	shalt  }
0x65: {  	_ =	shalt  }
0x66: {  	_ =	shalt  }
0x67: {  	_ =	shalt  }
0x68: {  	_ =	shalt  }
0x69: {  	_ =	shalt  }
0x6a: {  	_ =	shalt  }
0x6b: {  	_ =	shalt  }
0x6c: {  	_ =	shalt  }
0x6d: {  	_ =	shalt  }
0x6e: {  	_ =	shalt  }
0x6f: {  	_ =	shalt  }
0x70: {  	_ =	shalt  }
0x71: {  	_ =	shalt  }
0x72: {  	_ =	shalt  }
0x73: {  	_ =	shalt  }
0x74: {  	_ =	shalt  }
0x75: {  	_ =	shalt  }
0x76: {  	_ =	shalt  }
0x77: {  	_ =	shalt  }
0x78: {  	_ =	shalt  }
0x79: {  	_ =	shalt  }
0x7a: {  	_ =	shalt  }
0x7b: {  	_ =	shalt  }
0x7c: {  	_ =	shalt  }
0x7d: {  	_ =	shalt  }
0x7e: {  	_ =	shalt  }
0x7f: {  	_ =	shalt  }
0x80: {  	_ =	shalt  }
0x81: {  	_ =	shalt  }
0x82: {  	_ =	shalt  }
0x83: {  	_ =	shalt  }
0x84: {  	_ =	shalt  }
0x85: {  	_ =	shalt  }
0x86: {  	_ =	shalt  }
0x87: {  	_ =	shalt  }
.Lfunc_end0:
.L_simem_size_0:
called_computation_lowered:
.L_overlay_start_0:
0x88: {  	s2 =	sld [smem:$0x3FD9]  }
0x89: {  	s3 =	sld [smem:$0x3FFE];
	_ =	sdelay $0x1  }
0x8a: {  	s1 =	srdreg.scid  }
0x8b: {  	s0 =	sand.u32 $0x1, s1  }
0x8c: {  	s15 =	sshll.u32 s0, $0xA;
	s2 =	sadd.s32 s3, s2  }
0x8d: {  	s2 =	sadd.s32 s2, s15  }
0x8e: {  	[smem:$0x3FC0] =	sst s2  }
0x8f: {  	_ = 	snop  }
0x90: {  	s2 =	sld [smem:$0x3FD0]  }
0x91: {  	s16 =	sld [smem:$0x3FC9]  }
0x92: {  	s4 =	sld [smem:$0x3FC5]  }
0x93: {  	s6 =	simm.s32 $0xA;
	s7 =	simm.s32 $0x10;
	s5 =	sld [smem:$0x3FC4]  }
0x94: {  	[smem:s7], [sflag:s6] =	dma.local [hbm:s2], $0x1  }
0x95: {  	_ =	swait.eq [sflag:s6], $0x1  }
0x96: {  	[sflag:s6] =	ssyncset.done $0x0  }
0x97: {  	s17 =	sld [smem:$0x10];
	[sflag:s6] =	ssyncadd.s32 $0xFFFFFFFF  }
0x98: {  	s18 =	sld [smem:$0x13];
	(tm) =	ssettm $0x1  }
0x99: {  	s19 =	sld [smem:$0x3FFB];
	_ =	sdelay $0x3  }
0x9a: {  	_ =	strace s19  }
0x9b: {  	s7 =	sld [smem:$0x3FFC];
	_ =	sdelay $0x3  }
0x9c: {  	_ =	strace s7  }
0x9d: {  	s7 =	sld [smem:$0x3FFD];
	_ =	sdelay $0x3  }
0x9e: {  	_ =	strace s7  }
0x9f: {  	_ =	strace $0x8FFFFFFF  }
0xa0: {  	s20 =	sld [smem:$0x3FDB];
	_ =	sdelay $0x1  }
0xa1: {  	s8 =	simm.s32 $_scs_section_size  }
0xa2: {  	s9 =	simm.s32 $_size__tile_overlayer_lowered;
	s10 =	simm.s32 $_tile_overlayer_lowered  }
0xa3: {  	s23 =	simm.s32 $0x1BFF;
	s22 =	sshll.u32 s10, $0x1;
	s7 =	sadd.s32 s8, s20  }
0xa4: {  	s11 =	simm.s32 $0x0;
	s21 =	sshll.u32 s9, $0x1;
	s9 =	sadd.s32 s22, s7  }
0xa5: {  	[timem:s11], [sflag:s23] =	dma.local [hbm:s9], s21  }
0xa6: {  	_ =	swait.ge [sflag:s23], s21  }
0xa7: {  	s8 =	ssub.s32 $0x0, s21;
	[sflag:s23] =	ssyncset.done $0x0  }
0xa8: {  	[sflag:s23] =	ssyncadd.s32 s8;
	_ =	sdelay $0x1  }
0xa9: {  	s24 =	simm.s32 $0x1B8B  }
0xaa: {  	_ =	swait.ge [sflag:s24], $0x1  }
0xab: {  	[sflag:s24] =	ssyncset.done $0x0  }
0xac: {  	s25 =	simm.s32 $0x1B8E;
	[sflag:s24] =	ssyncadd.s32 $0xFFFFFFFF  }
0xad: {  	s26 =	simm.s32 $execute0_lowered;
	[smem:$0x3FD2] =	sst s25  }
0xae: {  	s8 =	sshll.u32 s26, $0x1;
	_ =	strace $0x80000046;
	[dreg:$0x1] =	wrdreg $0xFFFFFFFF  }
0xaf: {  	s28 =	simm.s32 $_size_execute0_lowered;
	s7 =	sadd.s32 s7, s8;
	[dreg:$0x0] =	wrdreg $0x0  }
0xb0: {  	s8 =	sshll.u32 s28, $0x1;
	[dreg:$0x2] =	wrdreg s7  }
0xb1: {  	[dreg:$0x3] =	wrdreg s8  }
0xb2: {  	[dreg:$0x4] =	wrdreg $0xC0  }
0xb3: {  	_ =	task [dreg:s11], $0x5FFFF  }
0xb4: {  	[dreg:$0x1] =	wrdreg $0xFFFFFFFF  }
0xb5: {  	[dreg:$0x0] =	wrdreg $0x60  }
0xb6: {  	[dreg:$0x2] =	wrdreg s5  }
0xb7: {  	[dreg:$0x3] =	wrdreg s16  }
0xb8: {  	[dreg:$0x4] =	wrdreg s4  }
0xb9: {  	[dreg:$0x5] =	wrdreg s17  }
0xba: {  	[dreg:$0x6] =	wrdreg s18  }
0xbb: {  	[dreg:$0x7] =	wrdreg $0x9  }
0xbc: {  	_ =	task.clear_ibuf [dreg:s11], $0x8FFFF;
	_ =	strace $0x90000046  }
0xbd: {  	s29 =	simm.s32 $0x9;
	_ =	strace $0x80000048  }
0xbe: {  	_ =	swait.ge [sflag:s29], $0x1  }
0xbf: {  	[sflag:s29] =	ssyncadd.s32 $0xFFFFFFFF  }
0xc0: {  	_ =	strace $0x90000048  }
0xc1: {  	_ =	sfence  }
0xc2: {  	s30 =	sld [smem:$0x0];
	_ =	sdelay $0x2  }
0xc3: {  	s31 =	sshll.u32 s1, $0xD;
	s1 =	sshrl.u32 s1, $0x2  }
0xc4: {  	s3 =	sand.u32 $0x4000, s31;
	s1 =	sadd.s32 s1, s30  }
0xc5: {  	s0 =	sor.u32 s3, s0;
	s1 =	sshll.u32 s1, $0x11  }
0xc6: {  	s0 =	sor.u32 s1, s0  }
0xc7: {  	s0 =	sadd.s32 $0x8F2B, s0  }
0xc8: {  	[sflag:s0] =	ssyncadd.remote.s32 $0x1  }
0xc9: {  	_ =	sfence.sel $0xFFFF  }
0xca: {  	[dreg:$0x0] =	wrdreg $0xFFFFFFFF;
	(pc) =	sbr.abs _section_cstart, $3  }
0xcb: {  	[dreg:$0x1] =	wrdreg $0xFFFFFFFF  }
0xcc: {  	_ =	task.clear_ibuf [dreg:s11], $0x2FFFF;
	_ =	strace $0x9FFFFFFF  }
0xcd: {  	(tm) =	ssettm $0x7FFFFFFF  }
tec
execute0_lowered:
.L_overlay_start_1:
0x0: {  	(tag) =	ssettag $0x1  }
0x1: {  	s0 =	rddreg [dreg:$0x0]  }
0x2: {  	s8 =	rddreg [dreg:$0x1]  }
0x3: {  	s10 =	rddreg [dreg:$0x2]  }
0x4: {  	s9 =	rddreg [dreg:$0x3]  }
0x5: {  	s2 =	srdreg.scid;
	s1 =	stileid.u32  }
0x6: {  	s11 =	rddreg [dreg:$0x4];
	s14 =	simm.s32 $0x2;
	s15 =	simm.s32 $0x50  }
0x7: {  	s16 =	simm.s32 $0xA200;
	s17 =	simm.s32 $0x1;
	s18 =	simm.s32 $0xCA00  }
0x8: {  	s19 =	simm.s32 $0xCB80;
	s4 =	sand.u32 $0x1, s2;
	s3 =	sshll.u32 s1, $0x1  }
0x9: {  	s20 =	simm.s32 $0x140;
	s21 =	simm.s32 $0x180;
	s13 =	sor.u32 s4, s3  }
0xa: {  	s2 =	rddreg [dreg:$0x5];
	s3 =	simm.s32 $0x0;
	s7 =	smul.u32 $0x28, s13  }
0xb: {  	s4 =	ssub.s32 $0x2, s4;
	[smem:$0x7FF] =	sst s3;
	s6 =	smul.u32 $0x1400, s13  }
.Ltmp0:
0xc: {  	s5 =	sshrl.u32 s4, $0x1;
	p0 =	seq.s32 s13, $0x1F;
	(pc) =	sbr.rel .LBB2_1-.Ltmp0, $4  }
0xd: {  	s13 =	simm.s32 $0xA180;
	_ =	strace $0x80000047;
	s12 =	ssub.s32 s4, s5  }
0xe: {  	s4 =	sadd.s32 s8, s7;
	s5 =	sadd.s32 s9, s6;
	s6 =	sadd.s32 s10, s7  }
0xf: {  	s7 =	sadd.s32 s11, s7;
	s8 =	sadd.s32 $0x4D8, s8;
	s9 =	sadd.s32 $0x26C00, s9  }
0x10: {  	s10 =	sadd.s32 $0x4D8, s10;
	s11 =	sadd.s32 $0x4D8, s11;
	s12 =	smax.u32 s12, $0x1  }
.LBB2_3:
0x11: {  	[tilespmem:s13], [sflag:$0x2] =	stream.linear.gather [hbm4b:s8+s3], $0x50, $0x38;
	[tilespmem:$0xCD00] =	vst v63  }
0x12: {  	_ =	swait.ge [sflag:s14], $0x50  }
0x13: {  	[sflag:s14] =	ssyncset.done $0x0  }
0x14: {  	[sflag:s14] =	ssyncadd.s32 $0xFFFFFFB0  }
0x15: {  	[tilespmem:s16], [sflag:$0x1] =	stream.indirect.gather [hbm4b:s0+s15], $0x80, s13, s15, $0xb8;
	[tilespmem:$0xCD00] =	vst v63  }
0x16: {  	_ =	swait.ge [sflag:s17], $0x2800  }
0x17: {  	[sflag:s17] =	ssyncset.done $0x0  }
0x18: {  	[sflag:s17] =	ssyncadd.s32 $0xFFFFD800  }
0x19: {  	[hbm4b:s9+s3] =	stream.linear.scatter [tilespmem:s16], [sflag:$0x2], $0x2800, $0x38;
	[tilespmem:$0xCD00] =	vst v63  }
0x1a: {  	_ =	swait.ge [sflag:s14], $0x2800  }
0x1b: {  	[sflag:s14] =	ssyncset.done $0x0  }
0x1c: {  	[sflag:s14] =	ssyncadd.s32 $0xFFFFD800  }
0x1d: {  	[tilespmem:s18], [sflag:$0x2] =	stream.linear.gather [hbm4b:s10+s3], $0x50, $0x38;
	[tilespmem:$0xCD00] =	vst v63  }
0x1e: {  	_ =	swait.ge [sflag:s14], $0x50  }
0x1f: {  	[sflag:s14] =	ssyncset.done $0x0  }
0x20: {  	[sflag:s14] =	ssyncadd.s32 $0xFFFFFFB0  }
0x21: {  	v0 =	vld [tilespmem:$0xCA00]  }
0x22: {  	v1 =	vld [tilespmem:$0xCA10]  }
0x23: {  	v2 =	vld [tilespmem:$0xCA20]  }
0x24: {  	v3 =	vld [tilespmem:$0xCA30]  }
0x25: {  	v4 =	vld [tilespmem:$0xCA40]  }
0x26: {  	v0 =	vcvt.s32.f32 v0  }
0x27: {  	v1 =	vcvt.s32.f32 v1  }
0x28: {  	v61 =	vcvt.s32.f32 v2;
	[tilespmem:$0xCB80] =	vst v0  }
0x29: {  	v62 =	vcvt.s32.f32 v3;
	[tilespmem:$0xCB90] =	vst v1  }
0x2a: {  	v63 =	vcvt.s32.f32 v4;
	[tilespmem:$0xCBA0] =	vst v61  }
0x2b: {  	[tilespmem:$0xCBB0] =	vst v62  }
0x2c: {  	[tilespmem:$0xCBC0] =	vst v63  }
0x2d: {  	[hbm4b:s11+s3] =	stream.linear.scatter [tilespmem:s19], [sflag:$0x2], $0x50, $0x38;
	[tilespmem:$0xCD00] =	vst v63  }
0x2e: {  	_ =	swait.ge [sflag:s14], $0x50  }
0x2f: {  	[sflag:s14] =	ssyncset.done $0x0  }
0x30: {  	[sflag:s14] =	ssyncadd.s32 $0xFFFFFFB0  }
.LBB2_4:
0x31: {  	s12 =	sadd.s32 $0xFFFFFFFF, s12  }
0x32: {  	p1 =	sne.s32 s12, $0x0  }
.Ltmp1:
0x33: {  	_ = 	snop;
	(pc) =	sbr.rel @!p1 .LBB2_5-.Ltmp1, $1  }
0x34: {  	_ =	sdelay $0x3  }
.LBB2_1:
.Ltmp2:
0x35: {  	(pc) =	sbr.rel @p0 .LBB2_3-.Ltmp2, $1  }
0x36: {  	_ =	sdelay $0x3  }
0x37: {  	[tilespmem:s3], [sflag:$0x2] =	stream.linear.gather [hbm4b:s4+s3], $0x140, $0x38;
	[tilespmem:$0xCD00] =	vst v63  }
0x38: {  	_ =	swait.ge [sflag:s14], $0x140  }
0x39: {  	[sflag:s14] =	ssyncset.done $0x0  }
0x3a: {  	[sflag:s14] =	ssyncadd.s32 $0xFFFFFEC0  }
0x3b: {  	[tilespmem:s21], [sflag:$0x1] =	stream.indirect.gather [hbm4b:s0+s20], $0x80, s3, s20, $0xb8;
	[tilespmem:$0xCD00] =	vst v63  }
0x3c: {  	_ =	swait.ge [sflag:s17], $0xA000  }
0x3d: {  	[sflag:s17] =	ssyncset.done $0x0  }
0x3e: {  	[sflag:s17] =	ssyncadd.s32 $0xFFFF6000  }
0x3f: {  	[hbm4b:s5+s3] =	stream.linear.scatter [tilespmem:s21], [sflag:$0x2], $0xA000, $0x38;
	[tilespmem:$0xCD00] =	vst v63  }
0x40: {  	_ =	swait.ge [sflag:s14], $0xA000  }
0x41: {  	[sflag:s14] =	ssyncset.done $0x0  }
0x42: {  	[sflag:s14] =	ssyncadd.s32 $0xFFFF6000  }
0x43: {  	[tilespmem:s18], [sflag:$0x2] =	stream.linear.gather [hbm4b:s6+s3], $0x140, $0x38;
	[tilespmem:$0xCD00] =	vst v63  }
0x44: {  	_ =	swait.ge [sflag:s14], $0x140  }
0x45: {  	[sflag:s14] =	ssyncset.done $0x0  }
0x46: {  	[sflag:s14] =	ssyncadd.s32 $0xFFFFFEC0  }
0x47: {  	v0 =	vld [tilespmem:$0xCA00]  }
0x48: {  	v1 =	vld [tilespmem:$0xCA10]  }
0x49: {  	v2 =	vld [tilespmem:$0xCA20]  }
0x4a: {  	v3 =	vld [tilespmem:$0xCA30]  }
0x4b: {  	v4 =	vld [tilespmem:$0xCA40]  }
0x4c: {  	v5 =	vld [tilespmem:$0xCA50];
	v0 =	vcvt.s32.f32 v0  }
0x4d: {  	v6 =	vld [tilespmem:$0xCA60];
	v1 =	vcvt.s32.f32 v1  }
0x4e: {  	v34 =	vld [tilespmem:$0xCA70];
	v33 =	vcvt.s32.f32 v2;
	[tilespmem:$0xCB80] =	vst v0  }
0x4f: {  	v36 =	vld [tilespmem:$0xCA80];
	v35 =	vcvt.s32.f32 v3;
	[tilespmem:$0xCB90] =	vst v1  }
0x50: {  	v38 =	vld [tilespmem:$0xCA90];
	v37 =	vcvt.s32.f32 v4;
	[tilespmem:$0xCBA0] =	vst v33  }
0x51: {  	v40 =	vld [tilespmem:$0xCAA0];
	v39 =	vcvt.s32.f32 v5;
	[tilespmem:$0xCBB0] =	vst v35  }
0x52: {  	v42 =	vld [tilespmem:$0xCAB0];
	v41 =	vcvt.s32.f32 v6;
	[tilespmem:$0xCBC0] =	vst v37  }
0x53: {  	v44 =	vld [tilespmem:$0xCAC0];
	v43 =	vcvt.s32.f32 v34;
	[tilespmem:$0xCBD0] =	vst v39  }
0x54: {  	v46 =	vld [tilespmem:$0xCAD0];
	v45 =	vcvt.s32.f32 v36;
	[tilespmem:$0xCBE0] =	vst v41  }
0x55: {  	v48 =	vld [tilespmem:$0xCAE0];
	v47 =	vcvt.s32.f32 v38;
	[tilespmem:$0xCBF0] =	vst v43  }
0x56: {  	v50 =	vld [tilespmem:$0xCAF0];
	v49 =	vcvt.s32.f32 v40;
	[tilespmem:$0xCC00] =	vst v45  }
0x57: {  	v52 =	vld [tilespmem:$0xCB00];
	v51 =	vcvt.s32.f32 v42;
	[tilespmem:$0xCC10] =	vst v47  }
0x58: {  	v54 =	vld [tilespmem:$0xCB10];
	v53 =	vcvt.s32.f32 v44;
	[tilespmem:$0xCC20] =	vst v49  }
0x59: {  	v56 =	vld [tilespmem:$0xCB20];
	v55 =	vcvt.s32.f32 v46;
	[tilespmem:$0xCC30] =	vst v51  }
0x5a: {  	v58 =	vld [tilespmem:$0xCB30];
	v57 =	vcvt.s32.f32 v48;
	[tilespmem:$0xCC40] =	vst v53  }
0x5b: {  	v59 =	vcvt.s32.f32 v50;
	[tilespmem:$0xCC50] =	vst v55  }
0x5c: {  	v60 =	vcvt.s32.f32 v52;
	[tilespmem:$0xCC60] =	vst v57  }
0x5d: {  	v61 =	vcvt.s32.f32 v54;
	[tilespmem:$0xCC70] =	vst v59  }
0x5e: {  	v62 =	vcvt.s32.f32 v56;
	[tilespmem:$0xCC80] =	vst v60  }
0x5f: {  	v63 =	vcvt.s32.f32 v58;
	[tilespmem:$0xCC90] =	vst v61  }
0x60: {  	[tilespmem:$0xCCA0] =	vst v62  }
.Ltmp3:
0x61: {  	[tilespmem:$0xCCB0] =	vst v63;
	(pc) =	sbr.rel .LBB2_4-.Ltmp3, $4  }
0x62: {  	[hbm4b:s7+s3] =	stream.linear.scatter [tilespmem:s19], [sflag:$0x2], $0x140, $0x38;
	[tilespmem:$0xCD00] =	vst v63  }
0x63: {  	_ =	swait.ge [sflag:s14], $0x140  }
0x64: {  	[sflag:s14] =	ssyncset.done $0x0  }
0x65: {  	[sflag:s14] =	ssyncadd.s32 $0xFFFFFEC0  }
.LBB2_5:
0x66: {  	_ =	sfence.sel $0x180000  }
0x67: {  	[bflag:$0x0] =	sbarrier.arrive $0xFFFF  }
0x68: {  	p0 =	sne.s32 s1, $0x0;
	_ =	strace $0x90000047  }
0x69: {  	s0 =	sadd.s32 @!p0 $0x100000, s2;
	[bflag:$0x2] =	sbarrier.arrive $0xFFFF  }
0x6a: {  	[sflag:s0] =	ssyncadd.tile.s32 @!p0 $0x1;
	_ =	shalt  }
.Lfunc_end2:
_tile_overlayer_lowered:
.L_overlay_start_2:
0x6b: {  	(tag) =	ssettag $0x2  }
0x6c: {  	s0 =	rddreg [dreg:$0x0];
	s2 =	stileid.u32  }
0x6d: {  	s1 =	rddreg [dreg:$0x1];
	p0 =	sne.s32 s2, $0x0  }
0x6e: {  	s3 =	rddreg [dreg:$0x2];
	[bflag:$0x3] =	sbarrier.arrive $0xFFFF;
	s2 =	simm.s32 @!p0 $0x1C02  }
0x6f: {  	[timem:s3], [sflag:s2] =	dma.local @!p0 [hbm:s0], s1  }
0x70: {  	s0 =	simm.s32 @!p0 $0x2  }
0x71: {  	_ =	swait.ge @!p0 [sflag:s0], s1  }
0x72: {  	s1 =	ssub.s32 @!p0 $0x0, s1;
	[sflag:s0] =	ssyncset.done @!p0 $0x0  }
0x73: {  	[sflag:s0] =	ssyncadd.s32 @!p0 s1  }
0x74: {  	[bflag:$0x3] =	sbarrier.arrive $0xFFFF  }
0x75: {  	_ =	shalt  }

</sc_bundles>
